<compile_context>
chip_gen: v7x
topology: tpu7x:2x2x1
jax: 0.10.2.dev20260603
libtpu: 0.0.44.dev20260713+nightly
codegen_flags: <defaults>
</compile_context>

<pallas_src>
import functools

import jax
import jax.numpy as jnp
from jax import lax
from jax.experimental import pallas as pl
from jax.experimental.pallas import tpu as pltpu
from jax.experimental.pallas import tpu_sc as plsc

VOCAB = 1000000
DIM = 64
BATCH = 16384

_INFO = plsc.get_sparse_core_info()
NC = _INFO.num_cores
NS = _INFO.num_subcores
LANES = _INFO.num_lanes
NW = NC * NS
BPW = BATCH // NW
CHUNK = 128
NCHUNK = BPW // CHUNK
NGROUP = BPW // LANES

_mesh = plsc.VectorSubcoreMesh(core_axis_name="c", subcore_axis_name="s")


@functools.partial(
    pl.kernel,
    mesh=_mesh,
    compiler_params=pltpu.CompilerParams(needs_layout_passes=False,
                                         use_tc_tiling_on_sc=False),
    out_type=jax.ShapeDtypeStruct((BATCH,), jnp.float32),
    scratch_types=[
        pltpu.VMEM((BPW,), jnp.int32),
        pltpu.VMEM((BPW,), jnp.int32),
        pltpu.VMEM((BPW, DIM), jnp.float32),
        pltpu.VMEM((BPW, DIM), jnp.float32),
        pltpu.VMEM((BPW,), jnp.float32),
        pltpu.VMEM((BPW,), jnp.float32),
        pltpu.VMEM((BPW,), jnp.float32),
        pltpu.SemaphoreType.DMA,
    ],
)
def _glove_sc(cid_hbm, xid_hbm, wemb_hbm, wctx_hbm, bw_hbm, bc_hbm,
              out_hbm, cid_v, xid_v, wrows, crows,
              bw_f, bc_f, out_v, sem):
    wid = lax.axis_index("s") * NC + lax.axis_index("c")
    base = wid * BPW

    pltpu.sync_copy(cid_hbm.at[pl.ds(base, BPW)], cid_v)
    pltpu.sync_copy(xid_hbm.at[pl.ds(base, BPW)], xid_v)

    copies = []
    for j in range(NCHUNK):
        sl = pl.ds(j * CHUNK, CHUNK)
        copies.append(pltpu.async_copy(wemb_hbm.at[cid_v.at[sl]],
                                       wrows.at[sl], sem))
        copies.append(pltpu.async_copy(wctx_hbm.at[xid_v.at[sl]],
                                       crows.at[sl], sem))
        copies.append(pltpu.async_copy(bw_hbm.at[cid_v.at[sl]],
                                       bw_f.at[sl], sem))
        copies.append(pltpu.async_copy(bc_hbm.at[xid_v.at[sl]],
                                       bc_f.at[sl], sem))
    for cp in copies:
        cp.wait()

    iota = lax.iota(jnp.int32, LANES)
    def group(g, carry):
        res = bw_f[pl.ds(g * LANES, LANES)] + bc_f[pl.ds(g * LANES, LANES)]
        for u in range(LANES):
            b = g * LANES + u
            wr = wrows.at[b]
            cr = crows.at[b]
            v = wr[pl.ds(0, LANES)] * cr[pl.ds(0, LANES)]
            for k in range(1, DIM // LANES):
                sl = pl.ds(k * LANES, LANES)
                v = v + wr[sl] * cr[sl]
            res = jnp.where(iota == u, res + jnp.sum(v), res)
        out_v[pl.ds(g * LANES, LANES)] = res
        return carry

    lax.fori_loop(0, NGROUP, group, 0)

    pltpu.sync_copy(out_v, out_hbm.at[pl.ds(base, BPW)])


def kernel(center_ids, context_ids, W_emb, W_ctx, b_w, b_c):
    cid = center_ids.astype(jnp.int32)
    xid = context_ids.astype(jnp.int32)
    wf, cf, bwf, bcf = lax.optimization_barrier(
        (W_emb.reshape(VOCAB * DIM), W_ctx.reshape(VOCAB * DIM),
         b_w.reshape(VOCAB), b_c.reshape(VOCAB)))
    return _glove_sc(cid, xid, wf.reshape(VOCAB, DIM), cf.reshape(VOCAB, DIM),
                     bwf, bcf)

# --- scband reference (transcript-rebuilt; emitter-appended) ---
"""Pipeline reference for scband-glo-ve-model-6648609374783 (READ-ONLY COPY).

The authoritative reference and input builder live on the scoring server;
editing this copy changes nothing except your own understanding.
"""

import jax, jax.numpy as jnp
import numpy as np

VOCAB = 1000000
DIM = 64
BATCH = 16384

def _xavier_uniform(key, shape):
    fan_in, fan_out = shape[0], shape[1]
    bound = float(np.sqrt(6.0 / (fan_in + fan_out)))
    return jax.random.uniform(key, shape, dtype=jnp.float32, minval=-bound, maxval=bound)

def setup_inputs(seed: int = 0) -> dict:
    key = jax.random.key(seed)
    k1, k2, k3, k4 = jax.random.split(key, 4)
    center_ids = jax.random.randint(k1, (BATCH,), 0, VOCAB, dtype=jnp.int64) if jax.config.jax_enable_x64 else jax.random.randint(k1, (BATCH,), 0, VOCAB).astype(jnp.int32)
    context_ids = jax.random.randint(k2, (BATCH,), 0, VOCAB).astype(center_ids.dtype)
    W_emb = _xavier_uniform(k3, (VOCAB, DIM))
    W_ctx = _xavier_uniform(k4, (VOCAB, DIM))
    b_w = jnp.zeros((VOCAB, 1), dtype=jnp.float32)
    b_c = jnp.zeros((VOCAB, 1), dtype=jnp.float32)
    return {"center_ids": center_ids, "context_ids": context_ids,
            "W_emb": W_emb, "W_ctx": W_ctx, "b_w": b_w, "b_c": b_c}

def reference(center_ids, context_ids, W_emb, W_ctx, b_w, b_c):
    w = jnp.take(W_emb, center_ids, axis=0)          # [B, D]
    c = jnp.take(W_ctx, context_ids, axis=0)         # [B, D]
    bw = jnp.take(b_w, center_ids, axis=0).squeeze(-1)   # [B]
    bc = jnp.take(b_c, context_ids, axis=0).squeeze(-1)  # [B]
    dot = jnp.sum(w * c, axis=1)                     # [B]
    return dot + bw + bc

if __name__ == "__main__":
    import jax
    _d = setup_inputs()
    print(jax.jit(kernel)(*tuple(_d.values())))

</pallas_src>

<mosaic_0001>
#map = affine_map<(d0, d1) -> (0)>
#map1 = affine_map<(d0, d1) -> (0, 0)>
module attributes {stable_mosaic.version = 14 : i64} {
  func.func @_glove_sc(%arg0: i32, %arg1: i32, %arg2: memref<16384xi32, #tpu.memory_space<hbm>>, %arg3: memref<16384xi32, #tpu.memory_space<hbm>>, %arg4: memref<1000000x64xf32, #tpu.memory_space<hbm>>, %arg5: memref<1000000x64xf32, #tpu.memory_space<hbm>>, %arg6: memref<1000000xf32, #tpu.memory_space<hbm>>, %arg7: memref<1000000xf32, #tpu.memory_space<hbm>>, %arg8: memref<16384xf32, #tpu.memory_space<hbm>>, %arg9: memref<512xi32, #tpu.memory_space<vmem>>, %arg10: memref<512xi32, #tpu.memory_space<vmem>>, %arg11: memref<512x64xf32, #tpu.memory_space<vmem>>, %arg12: memref<512x64xf32, #tpu.memory_space<vmem>>, %arg13: memref<512xf32, #tpu.memory_space<vmem>>, %arg14: memref<512xf32, #tpu.memory_space<vmem>>, %arg15: memref<512xf32, #tpu.memory_space<vmem>>, %arg16: memref<!tpu.dma_semaphore, #tpu.memory_space<semaphore_mem>>) attributes {dimension_semantics = [#tpu.dimension_semantics<core_parallel>, #tpu.dimension_semantics<subcore_parallel>], iteration_bounds = array<i64: 2, 16>, scalar_prefetch = 0 : i64, scratch_operands = 8 : i64, tpu.core_type = #tpu.core_type<sc_vector_subcore>, window_params = [{transform_indices = #map}, {transform_indices = #map}, {transform_indices = #map1}, {transform_indices = #map1}, {transform_indices = #map}, {transform_indices = #map}, {transform_indices = #map}]} {
    %mul3A = arith.constant 2 : i32
    %mul3A_0 = arith.muli %arg1, %mul3A : i32
    %add3A = arith.addi %mul3A_0, %arg0 : i32
    %mul3A_1 = arith.constant 512 : i32
    %mul3A_2 = arith.muli %add3A, %mul3A_1 : i32
    "tpu.region"() ({
      %run_scoped3A = tpu.sem_alloc : memref<!tpu.dma_semaphore, #tpu.memory_space<semaphore_mem>>
      %dma_start3A_230 = tpu.memref_slice %arg2[%mul3A_2] : memref<16384xi32, #tpu.memory_space<hbm>> -> memref<512xi32, #tpu.memory_space<hbm>>
      %dma_start3A_231 = tpu.memref_slice %arg2[%mul3A_2] : memref<16384xi32, #tpu.memory_space<hbm>> -> memref<512xi32, #tpu.memory_space<hbm>>
      tpu.enqueue_dma source(%dma_start3A_231 : memref<512xi32, #tpu.memory_space<hbm>>) target(%arg9 : memref<512xi32, #tpu.memory_space<vmem>>) target_semaphore(%run_scoped3A : memref<!tpu.dma_semaphore, #tpu.memory_space<semaphore_mem>>)
      %dma_wait3A_232 = tpu.memref_slice %arg2[%mul3A_2] : memref<16384xi32, #tpu.memory_space<hbm>> -> memref<512xi32, #tpu.memory_space<hbm>>
      %dma_wait3A_233 = tpu.memref_slice %arg2[%mul3A_2] : memref<16384xi32, #tpu.memory_space<hbm>> -> memref<512xi32, #tpu.memory_space<hbm>>
      tpu.wait_dma2 semaphore(%run_scoped3A : memref<!tpu.dma_semaphore, #tpu.memory_space<semaphore_mem>>) src(%dma_wait3A_233 : memref<512xi32, #tpu.memory_space<hbm>>) dst(%arg9 : memref<512xi32, #tpu.memory_space<vmem>>)
      tpu.yield
    }) : () -> ()
    "tpu.region"() ({
      %run_scoped3A = tpu.sem_alloc : memref<!tpu.dma_semaphore, #tpu.memory_space<semaphore_mem>>
      %dma_start3A_230 = tpu.memref_slice %arg3[%mul3A_2] : memref<16384xi32, #tpu.memory_space<hbm>> -> memref<512xi32, #tpu.memory_space<hbm>>
      %dma_start3A_231 = tpu.memref_slice %arg3[%mul3A_2] : memref<16384xi32, #tpu.memory_space<hbm>> -> memref<512xi32, #tpu.memory_space<hbm>>
      tpu.enqueue_dma source(%dma_start3A_231 : memref<512xi32, #tpu.memory_space<hbm>>) target(%arg10 : memref<512xi32, #tpu.memory_space<vmem>>) target_semaphore(%run_scoped3A : memref<!tpu.dma_semaphore, #tpu.memory_space<semaphore_mem>>)
      %dma_wait3A_232 = tpu.memref_slice %arg3[%mul3A_2] : memref<16384xi32, #tpu.memory_space<hbm>> -> memref<512xi32, #tpu.memory_space<hbm>>
      %dma_wait3A_233 = tpu.memref_slice %arg3[%mul3A_2] : memref<16384xi32, #tpu.memory_space<hbm>> -> memref<512xi32, #tpu.memory_space<hbm>>
      tpu.wait_dma2 semaphore(%run_scoped3A : memref<!tpu.dma_semaphore, #tpu.memory_space<semaphore_mem>>) src(%dma_wait3A_233 : memref<512xi32, #tpu.memory_space<hbm>>) dst(%arg10 : memref<512xi32, #tpu.memory_space<vmem>>)
      tpu.yield
    }) : () -> ()
    %dma_start3A = arith.constant 0 : i32
    %dma_start3A_3 = arith.constant 0 : i32
    %dma_start3A_4 = tpu.memref_slice %arg11[%dma_start3A, %dma_start3A_3] : memref<512x64xf32, #tpu.memory_space<vmem>> -> memref<128x64xf32, #tpu.memory_space<vmem>>
    %dma_start3A_5 = arith.constant 0 : i32
    %dma_start3A_6 = tpu.memref_slice %arg9[%dma_start3A_5] : memref<512xi32, #tpu.memory_space<vmem>> -> memref<128xi32, #tpu.memory_space<vmem>>
    %dma_start3A_7 = arith.constant 0 : i32
    %dma_start3A_8 = arith.constant 0 : i32
    %dma_start3A_9 = tpu.memref_slice %arg4[%dma_start3A_7, %dma_start3A_8] : memref<1000000x64xf32, #tpu.memory_space<hbm>> -> memref<1000000x64xf32, #tpu.memory_space<hbm>>
    tpu.enqueue_indirect_dma source(%dma_start3A_9 : memref<1000000x64xf32, #tpu.memory_space<hbm>>) target(%dma_start3A_4 : memref<128x64xf32, #tpu.memory_space<vmem>>) offsets(%dma_start3A_6 : memref<128xi32, #tpu.memory_space<vmem>>) semaphore(%arg16 : memref<!tpu.dma_semaphore, #tpu.memory_space<semaphore_mem>>)
    %dma_start3A_10 = arith.constant 0 : i32
    %dma_start3A_11 = arith.constant 0 : i32
    %dma_start3A_12 = tpu.memref_slice %arg12[%dma_start3A_10, %dma_start3A_11] : memref<512x64xf32, #tpu.memory_space<vmem>> -> memref<128x64xf32, #tpu.memory_space<vmem>>
    %dma_start3A_13 = arith.constant 0 : i32
    %dma_start3A_14 = tpu.memref_slice %arg10[%dma_start3A_13] : memref<512xi32, #tpu.memory_space<vmem>> -> memref<128xi32, #tpu.memory_space<vmem>>
    %dma_start3A_15 = arith.constant 0 : i32
    %dma_start3A_16 = arith.constant 0 : i32
    %dma_start3A_17 = tpu.memref_slice %arg5[%dma_start3A_15, %dma_start3A_16] : memref<1000000x64xf32, #tpu.memory_space<hbm>> -> memref<1000000x64xf32, #tpu.memory_space<hbm>>
    tpu.enqueue_indirect_dma source(%dma_start3A_17 : memref<1000000x64xf32, #tpu.memory_space<hbm>>) target(%dma_start3A_12 : memref<128x64xf32, #tpu.memory_space<vmem>>) offsets(%dma_start3A_14 : memref<128xi32, #tpu.memory_space<vmem>>) semaphore(%arg16 : memref<!tpu.dma_semaphore, #tpu.memory_space<semaphore_mem>>)
    %dma_start3A_18 = arith.constant 0 : i32
    %dma_start3A_19 = tpu.memref_slice %arg13[%dma_start3A_18] : memref<512xf32, #tpu.memory_space<vmem>> -> memref<128xf32, #tpu.memory_space<vmem>>
    %dma_start3A_20 = arith.constant 0 : i32
    %dma_start3A_21 = tpu.memref_slice %arg9[%dma_start3A_20] : memref<512xi32, #tpu.memory_space<vmem>> -> memref<128xi32, #tpu.memory_space<vmem>>
    %dma_start3A_22 = arith.constant 0 : i32
    %dma_start3A_23 = tpu.memref_slice %arg6[%dma_start3A_22] : memref<1000000xf32, #tpu.memory_space<hbm>> -> memref<1000000xf32, #tpu.memory_space<hbm>>
    tpu.enqueue_indirect_dma source(%dma_start3A_23 : memref<1000000xf32, #tpu.memory_space<hbm>>) target(%dma_start3A_19 : memref<128xf32, #tpu.memory_space<vmem>>) offsets(%dma_start3A_21 : memref<128xi32, #tpu.memory_space<vmem>>) semaphore(%arg16 : memref<!tpu.dma_semaphore, #tpu.memory_space<semaphore_mem>>)
    %dma_start3A_24 = arith.constant 0 : i32
    %dma_start3A_25 = tpu.memref_slice %arg14[%dma_start3A_24] : memref<512xf32, #tpu.memory_space<vmem>> -> memref<128xf32, #tpu.memory_space<vmem>>
    %dma_start3A_26 = arith.constant 0 : i32
    %dma_start3A_27 = tpu.memref_slice %arg10[%dma_start3A_26] : memref<512xi32, #tpu.memory_space<vmem>> -> memref<128xi32, #tpu.memory_space<vmem>>
    %dma_start3A_28 = arith.constant 0 : i32
    %dma_start3A_29 = tpu.memref_slice %arg7[%dma_start3A_28] : memref<1000000xf32, #tpu.memory_space<hbm>> -> memref<1000000xf32, #tpu.memory_space<hbm>>
    tpu.enqueue_indirect_dma source(%dma_start3A_29 : memref<1000000xf32, #tpu.memory_space<hbm>>) target(%dma_start3A_25 : memref<128xf32, #tpu.memory_space<vmem>>) offsets(%dma_start3A_27 : memref<128xi32, #tpu.memory_space<vmem>>) semaphore(%arg16 : memref<!tpu.dma_semaphore, #tpu.memory_space<semaphore_mem>>)
    %dma_start3A_30 = arith.constant 128 : i32
    %dma_start3A_31 = arith.constant 0 : i32
    %dma_start3A_32 = tpu.memref_slice %arg11[%dma_start3A_30, %dma_start3A_31] : memref<512x64xf32, #tpu.memory_space<vmem>> -> memref<128x64xf32, #tpu.memory_space<vmem>>
    %dma_start3A_33 = arith.constant 128 : i32
    %dma_start3A_34 = tpu.memref_slice %arg9[%dma_start3A_33] : memref<512xi32, #tpu.memory_space<vmem>> -> memref<128xi32, #tpu.memory_space<vmem>>
    %dma_start3A_35 = arith.constant 0 : i32
    %dma_start3A_36 = arith.constant 0 : i32
    %dma_start3A_37 = tpu.memref_slice %arg4[%dma_start3A_35, %dma_start3A_36] : memref<1000000x64xf32, #tpu.memory_space<hbm>> -> memref<1000000x64xf32, #tpu.memory_space<hbm>>
    tpu.enqueue_indirect_dma source(%dma_start3A_37 : memref<1000000x64xf32, #tpu.memory_space<hbm>>) target(%dma_start3A_32 : memref<128x64xf32, #tpu.memory_space<vmem>>) offsets(%dma_start3A_34 : memref<128xi32, #tpu.memory_space<vmem>>) semaphore(%arg16 : memref<!tpu.dma_semaphore, #tpu.memory_space<semaphore_mem>>)
    %dma_start3A_38 = arith.constant 128 : i32
    %dma_start3A_39 = arith.constant 0 : i32
    %dma_start3A_40 = tpu.memref_slice %arg12[%dma_start3A_38, %dma_start3A_39] : memref<512x64xf32, #tpu.memory_space<vmem>> -> memref<128x64xf32, #tpu.memory_space<vmem>>
    %dma_start3A_41 = arith.constant 128 : i32
    %dma_start3A_42 = tpu.memref_slice %arg10[%dma_start3A_41] : memref<512xi32, #tpu.memory_space<vmem>> -> memref<128xi32, #tpu.memory_space<vmem>>
    %dma_start3A_43 = arith.constant 0 : i32
    %dma_start3A_44 = arith.constant 0 : i32
    %dma_start3A_45 = tpu.memref_slice %arg5[%dma_start3A_43, %dma_start3A_44] : memref<1000000x64xf32, #tpu.memory_space<hbm>> -> memref<1000000x64xf32, #tpu.memory_space<hbm>>
    tpu.enqueue_indirect_dma source(%dma_start3A_45 : memref<1000000x64xf32, #tpu.memory_space<hbm>>) target(%dma_start3A_40 : memref<128x64xf32, #tpu.memory_space<vmem>>) offsets(%dma_start3A_42 : memref<128xi32, #tpu.memory_space<vmem>>) semaphore(%arg16 : memref<!tpu.dma_semaphore, #tpu.memory_space<semaphore_mem>>)
    %dma_start3A_46 = arith.constant 128 : i32
    %dma_start3A_47 = tpu.memref_slice %arg13[%dma_start3A_46] : memref<512xf32, #tpu.memory_space<vmem>> -> memref<128xf32, #tpu.memory_space<vmem>>
    %dma_start3A_48 = arith.constant 128 : i32
    %dma_start3A_49 = tpu.memref_slice %arg9[%dma_start3A_48] : memref<512xi32, #tpu.memory_space<vmem>> -> memref<128xi32, #tpu.memory_space<vmem>>
    %dma_start3A_50 = arith.constant 0 : i32
    %dma_start3A_51 = tpu.memref_slice %arg6[%dma_start3A_50] : memref<1000000xf32, #tpu.memory_space<hbm>> -> memref<1000000xf32, #tpu.memory_space<hbm>>
    tpu.enqueue_indirect_dma source(%dma_start3A_51 : memref<1000000xf32, #tpu.memory_space<hbm>>) target(%dma_start3A_47 : memref<128xf32, #tpu.memory_space<vmem>>) offsets(%dma_start3A_49 : memref<128xi32, #tpu.memory_space<vmem>>) semaphore(%arg16 : memref<!tpu.dma_semaphore, #tpu.memory_space<semaphore_mem>>)
    %dma_start3A_52 = arith.constant 128 : i32
    %dma_start3A_53 = tpu.memref_slice %arg14[%dma_start3A_52] : memref<512xf32, #tpu.memory_space<vmem>> -> memref<128xf32, #tpu.memory_space<vmem>>
    %dma_start3A_54 = arith.constant 128 : i32
    %dma_start3A_55 = tpu.memref_slice %arg10[%dma_start3A_54] : memref<512xi32, #tpu.memory_space<vmem>> -> memref<128xi32, #tpu.memory_space<vmem>>
    %dma_start3A_56 = arith.constant 0 : i32
    %dma_start3A_57 = tpu.memref_slice %arg7[%dma_start3A_56] : memref<1000000xf32, #tpu.memory_space<hbm>> -> memref<1000000xf32, #tpu.memory_space<hbm>>
    tpu.enqueue_indirect_dma source(%dma_start3A_57 : memref<1000000xf32, #tpu.memory_space<hbm>>) target(%dma_start3A_53 : memref<128xf32, #tpu.memory_space<vmem>>) offsets(%dma_start3A_55 : memref<128xi32, #tpu.memory_space<vmem>>) semaphore(%arg16 : memref<!tpu.dma_semaphore, #tpu.memory_space<semaphore_mem>>)
    %dma_start3A_58 = arith.constant 256 : i32
    %dma_start3A_59 = arith.constant 0 : i32
    %dma_start3A_60 = tpu.memref_slice %arg11[%dma_start3A_58, %dma_start3A_59] : memref<512x64xf32, #tpu.memory_space<vmem>> -> memref<128x64xf32, #tpu.memory_space<vmem>>
    %dma_start3A_61 = arith.constant 256 : i32
    %dma_start3A_62 = tpu.memref_slice %arg9[%dma_start3A_61] : memref<512xi32, #tpu.memory_space<vmem>> -> memref<128xi32, #tpu.memory_space<vmem>>
    %dma_start3A_63 = arith.constant 0 : i32
    %dma_start3A_64 = arith.constant 0 : i32
    %dma_start3A_65 = tpu.memref_slice %arg4[%dma_start3A_63, %dma_start3A_64] : memref<1000000x64xf32, #tpu.memory_space<hbm>> -> memref<1000000x64xf32, #tpu.memory_space<hbm>>
    tpu.enqueue_indirect_dma source(%dma_start3A_65 : memref<1000000x64xf32, #tpu.memory_space<hbm>>) target(%dma_start3A_60 : memref<128x64xf32, #tpu.memory_space<vmem>>) offsets(%dma_start3A_62 : memref<128xi32, #tpu.memory_space<vmem>>) semaphore(%arg16 : memref<!tpu.dma_semaphore, #tpu.memory_space<semaphore_mem>>)
    %dma_start3A_66 = arith.constant 256 : i32
    %dma_start3A_67 = arith.constant 0 : i32
    %dma_start3A_68 = tpu.memref_slice %arg12[%dma_start3A_66, %dma_start3A_67] : memref<512x64xf32, #tpu.memory_space<vmem>> -> memref<128x64xf32, #tpu.memory_space<vmem>>
    %dma_start3A_69 = arith.constant 256 : i32
    %dma_start3A_70 = tpu.memref_slice %arg10[%dma_start3A_69] : memref<512xi32, #tpu.memory_space<vmem>> -> memref<128xi32, #tpu.memory_space<vmem>>
    %dma_start3A_71 = arith.constant 0 : i32
    %dma_start3A_72 = arith.constant 0 : i32
    %dma_start3A_73 = tpu.memref_slice %arg5[%dma_start3A_71, %dma_start3A_72] : memref<1000000x64xf32, #tpu.memory_space<hbm>> -> memref<1000000x64xf32, #tpu.memory_space<hbm>>
    tpu.enqueue_indirect_dma source(%dma_start3A_73 : memref<1000000x64xf32, #tpu.memory_space<hbm>>) target(%dma_start3A_68 : memref<128x64xf32, #tpu.memory_space<vmem>>) offsets(%dma_start3A_70 : memref<128xi32, #tpu.memory_space<vmem>>) semaphore(%arg16 : memref<!tpu.dma_semaphore, #tpu.memory_space<semaphore_mem>>)
    %dma_start3A_74 = arith.constant 256 : i32
    %dma_start3A_75 = tpu.memref_slice %arg13[%dma_start3A_74] : memref<512xf32, #tpu.memory_space<vmem>> -> memref<128xf32, #tpu.memory_space<vmem>>
    %dma_start3A_76 = arith.constant 256 : i32
    %dma_start3A_77 = tpu.memref_slice %arg9[%dma_start3A_76] : memref<512xi32, #tpu.memory_space<vmem>> -> memref<128xi32, #tpu.memory_space<vmem>>
    %dma_start3A_78 = arith.constant 0 : i32
    %dma_start3A_79 = tpu.memref_slice %arg6[%dma_start3A_78] : memref<1000000xf32, #tpu.memory_space<hbm>> -> memref<1000000xf32, #tpu.memory_space<hbm>>
    tpu.enqueue_indirect_dma source(%dma_start3A_79 : memref<1000000xf32, #tpu.memory_space<hbm>>) target(%dma_start3A_75 : memref<128xf32, #tpu.memory_space<vmem>>) offsets(%dma_start3A_77 : memref<128xi32, #tpu.memory_space<vmem>>) semaphore(%arg16 : memref<!tpu.dma_semaphore, #tpu.memory_space<semaphore_mem>>)
    %dma_start3A_80 = arith.constant 256 : i32
    %dma_start3A_81 = tpu.memref_slice %arg14[%dma_start3A_80] : memref<512xf32, #tpu.memory_space<vmem>> -> memref<128xf32, #tpu.memory_space<vmem>>
    %dma_start3A_82 = arith.constant 256 : i32
    %dma_start3A_83 = tpu.memref_slice %arg10[%dma_start3A_82] : memref<512xi32, #tpu.memory_space<vmem>> -> memref<128xi32, #tpu.memory_space<vmem>>
    %dma_start3A_84 = arith.constant 0 : i32
    %dma_start3A_85 = tpu.memref_slice %arg7[%dma_start3A_84] : memref<1000000xf32, #tpu.memory_space<hbm>> -> memref<1000000xf32, #tpu.memory_space<hbm>>
    tpu.enqueue_indirect_dma source(%dma_start3A_85 : memref<1000000xf32, #tpu.memory_space<hbm>>) target(%dma_start3A_81 : memref<128xf32, #tpu.memory_space<vmem>>) offsets(%dma_start3A_83 : memref<128xi32, #tpu.memory_space<vmem>>) semaphore(%arg16 : memref<!tpu.dma_semaphore, #tpu.memory_space<semaphore_mem>>)
    %dma_start3A_86 = arith.constant 384 : i32
    %dma_start3A_87 = arith.constant 0 : i32
    %dma_start3A_88 = tpu.memref_slice %arg11[%dma_start3A_86, %dma_start3A_87] : memref<512x64xf32, #tpu.memory_space<vmem>> -> memref<128x64xf32, #tpu.memory_space<vmem>>
    %dma_start3A_89 = arith.constant 384 : i32
    %dma_start3A_90 = tpu.memref_slice %arg9[%dma_start3A_89] : memref<512xi32, #tpu.memory_space<vmem>> -> memref<128xi32, #tpu.memory_space<vmem>>
    %dma_start3A_91 = arith.constant 0 : i32
    %dma_start3A_92 = arith.constant 0 : i32
    %dma_start3A_93 = tpu.memref_slice %arg4[%dma_start3A_91, %dma_start3A_92] : memref<1000000x64xf32, #tpu.memory_space<hbm>> -> memref<1000000x64xf32, #tpu.memory_space<hbm>>
    tpu.enqueue_indirect_dma source(%dma_start3A_93 : memref<1000000x64xf32, #tpu.memory_space<hbm>>) target(%dma_start3A_88 : memref<128x64xf32, #tpu.memory_space<vmem>>) offsets(%dma_start3A_90 : memref<128xi32, #tpu.memory_space<vmem>>) semaphore(%arg16 : memref<!tpu.dma_semaphore, #tpu.memory_space<semaphore_mem>>)
    %dma_start3A_94 = arith.constant 384 : i32
    %dma_start3A_95 = arith.constant 0 : i32
    %dma_start3A_96 = tpu.memref_slice %arg12[%dma_start3A_94, %dma_start3A_95] : memref<512x64xf32, #tpu.memory_space<vmem>> -> memref<128x64xf32, #tpu.memory_space<vmem>>
    %dma_start3A_97 = arith.constant 384 : i32
    %dma_start3A_98 = tpu.memref_slice %arg10[%dma_start3A_97] : memref<512xi32, #tpu.memory_space<vmem>> -> memref<128xi32, #tpu.memory_space<vmem>>
    %dma_start3A_99 = arith.constant 0 : i32
    %dma_start3A_100 = arith.constant 0 : i32
    %dma_start3A_101 = tpu.memref_slice %arg5[%dma_start3A_99, %dma_start3A_100] : memref<1000000x64xf32, #tpu.memory_space<hbm>> -> memref<1000000x64xf32, #tpu.memory_space<hbm>>
    tpu.enqueue_indirect_dma source(%dma_start3A_101 : memref<1000000x64xf32, #tpu.memory_space<hbm>>) target(%dma_start3A_96 : memref<128x64xf32, #tpu.memory_space<vmem>>) offsets(%dma_start3A_98 : memref<128xi32, #tpu.memory_space<vmem>>) semaphore(%arg16 : memref<!tpu.dma_semaphore, #tpu.memory_space<semaphore_mem>>)
    %dma_start3A_102 = arith.constant 384 : i32
    %dma_start3A_103 = tpu.memref_slice %arg13[%dma_start3A_102] : memref<512xf32, #tpu.memory_space<vmem>> -> memref<128xf32, #tpu.memory_space<vmem>>
    %dma_start3A_104 = arith.constant 384 : i32
    %dma_start3A_105 = tpu.memref_slice %arg9[%dma_start3A_104] : memref<512xi32, #tpu.memory_space<vmem>> -> memref<128xi32, #tpu.memory_space<vmem>>
    %dma_start3A_106 = arith.constant 0 : i32
    %dma_start3A_107 = tpu.memref_slice %arg6[%dma_start3A_106] : memref<1000000xf32, #tpu.memory_space<hbm>> -> memref<1000000xf32, #tpu.memory_space<hbm>>
    tpu.enqueue_indirect_dma source(%dma_start3A_107 : memref<1000000xf32, #tpu.memory_space<hbm>>) target(%dma_start3A_103 : memref<128xf32, #tpu.memory_space<vmem>>) offsets(%dma_start3A_105 : memref<128xi32, #tpu.memory_space<vmem>>) semaphore(%arg16 : memref<!tpu.dma_semaphore, #tpu.memory_space<semaphore_mem>>)
    %dma_start3A_108 = arith.constant 384 : i32
    %dma_start3A_109 = tpu.memref_slice %arg14[%dma_start3A_108] : memref<512xf32, #tpu.memory_space<vmem>> -> memref<128xf32, #tpu.memory_space<vmem>>
    %dma_start3A_110 = arith.constant 384 : i32
    %dma_start3A_111 = tpu.memref_slice %arg10[%dma_start3A_110] : memref<512xi32, #tpu.memory_space<vmem>> -> memref<128xi32, #tpu.memory_space<vmem>>
    %dma_start3A_112 = arith.constant 0 : i32
    %dma_start3A_113 = tpu.memref_slice %arg7[%dma_start3A_112] : memref<1000000xf32, #tpu.memory_space<hbm>> -> memref<1000000xf32, #tpu.memory_space<hbm>>
    tpu.enqueue_indirect_dma source(%dma_start3A_113 : memref<1000000xf32, #tpu.memory_space<hbm>>) target(%dma_start3A_109 : memref<128xf32, #tpu.memory_space<vmem>>) offsets(%dma_start3A_111 : memref<128xi32, #tpu.memory_space<vmem>>) semaphore(%arg16 : memref<!tpu.dma_semaphore, #tpu.memory_space<semaphore_mem>>)
    %dma_wait3A = arith.constant 0 : i32
    %dma_wait3A_114 = arith.constant 0 : i32
    %dma_wait3A_115 = tpu.memref_slice %arg11[%dma_wait3A, %dma_wait3A_114] : memref<512x64xf32, #tpu.memory_space<vmem>> -> memref<128x64xf32, #tpu.memory_space<vmem>>
    %dma_wait3A_116 = arith.constant 0 : i32
    %dma_wait3A_117 = tpu.memref_slice %arg9[%dma_wait3A_116] : memref<512xi32, #tpu.memory_space<vmem>> -> memref<128xi32, #tpu.memory_space<vmem>>
    %dma_wait3A_118 = arith.constant 0 : i32
    %dma_wait3A_119 = arith.constant 0 : i32
    %dma_wait3A_120 = tpu.memref_slice %arg4[%dma_wait3A_118, %dma_wait3A_119] : memref<1000000x64xf32, #tpu.memory_space<hbm>> -> memref<1000000x64xf32, #tpu.memory_space<hbm>>
    tpu.wait_indirect_dma semaphore(%arg16 : memref<!tpu.dma_semaphore, #tpu.memory_space<semaphore_mem>>) src(%dma_wait3A_120 : memref<1000000x64xf32, #tpu.memory_space<hbm>>) dst(%dma_wait3A_115 : memref<128x64xf32, #tpu.memory_space<vmem>>)
    %dma_wait3A_121 = arith.constant 0 : i32
    %dma_wait3A_122 = arith.constant 0 : i32
    %dma_wait3A_123 = tpu.memref_slice %arg12[%dma_wait3A_121, %dma_wait3A_122] : memref<512x64xf32, #tpu.memory_space<vmem>> -> memref<128x64xf32, #tpu.memory_space<vmem>>
    %dma_wait3A_124 = arith.constant 0 : i32
    %dma_wait3A_125 = tpu.memref_slice %arg10[%dma_wait3A_124] : memref<512xi32, #tpu.memory_space<vmem>> -> memref<128xi32, #tpu.memory_space<vmem>>
    %dma_wait3A_126 = arith.constant 0 : i32
    %dma_wait3A_127 = arith.constant 0 : i32
    %dma_wait3A_128 = tpu.memref_slice %arg5[%dma_wait3A_126, %dma_wait3A_127] : memref<1000000x64xf32, #tpu.memory_space<hbm>> -> memref<1000000x64xf32, #tpu.memory_space<hbm>>
    tpu.wait_indirect_dma semaphore(%arg16 : memref<!tpu.dma_semaphore, #tpu.memory_space<semaphore_mem>>) src(%dma_wait3A_128 : memref<1000000x64xf32, #tpu.memory_space<hbm>>) dst(%dma_wait3A_123 : memref<128x64xf32, #tpu.memory_space<vmem>>)
    %dma_wait3A_129 = arith.constant 0 : i32
    %dma_wait3A_130 = tpu.memref_slice %arg13[%dma_wait3A_129] : memref<512xf32, #tpu.memory_space<vmem>> -> memref<128xf32, #tpu.memory_space<vmem>>
    %dma_wait3A_131 = arith.constant 0 : i32
    %dma_wait3A_132 = tpu.memref_slice %arg9[%dma_wait3A_131] : memref<512xi32, #tpu.memory_space<vmem>> -> memref<128xi32, #tpu.memory_space<vmem>>
    %dma_wait3A_133 = arith.constant 0 : i32
    %dma_wait3A_134 = tpu.memref_slice %arg6[%dma_wait3A_133] : memref<1000000xf32, #tpu.memory_space<hbm>> -> memref<1000000xf32, #tpu.memory_space<hbm>>
    tpu.wait_indirect_dma semaphore(%arg16 : memref<!tpu.dma_semaphore, #tpu.memory_space<semaphore_mem>>) src(%dma_wait3A_134 : memref<1000000xf32, #tpu.memory_space<hbm>>) dst(%dma_wait3A_130 : memref<128xf32, #tpu.memory_space<vmem>>)
    %dma_wait3A_135 = arith.constant 0 : i32
    %dma_wait3A_136 = tpu.memref_slice %arg14[%dma_wait3A_135] : memref<512xf32, #tpu.memory_space<vmem>> -> memref<128xf32, #tpu.memory_space<vmem>>
    %dma_wait3A_137 = arith.constant 0 : i32
    %dma_wait3A_138 = tpu.memref_slice %arg10[%dma_wait3A_137] : memref<512xi32, #tpu.memory_space<vmem>> -> memref<128xi32, #tpu.memory_space<vmem>>
    %dma_wait3A_139 = arith.constant 0 : i32
    %dma_wait3A_140 = tpu.memref_slice %arg7[%dma_wait3A_139] : memref<1000000xf32, #tpu.memory_space<hbm>> -> memref<1000000xf32, #tpu.memory_space<hbm>>
    tpu.wait_indirect_dma semaphore(%arg16 : memref<!tpu.dma_semaphore, #tpu.memory_space<semaphore_mem>>) src(%dma_wait3A_140 : memref<1000000xf32, #tpu.memory_space<hbm>>) dst(%dma_wait3A_136 : memref<128xf32, #tpu.memory_space<vmem>>)
    %dma_wait3A_141 = arith.constant 128 : i32
    %dma_wait3A_142 = arith.constant 0 : i32
    %dma_wait3A_143 = tpu.memref_slice %arg11[%dma_wait3A_141, %dma_wait3A_142] : memref<512x64xf32, #tpu.memory_space<vmem>> -> memref<128x64xf32, #tpu.memory_space<vmem>>
    %dma_wait3A_144 = arith.constant 128 : i32
    %dma_wait3A_145 = tpu.memref_slice %arg9[%dma_wait3A_144] : memref<512xi32, #tpu.memory_space<vmem>> -> memref<128xi32, #tpu.memory_space<vmem>>
    %dma_wait3A_146 = arith.constant 0 : i32
    %dma_wait3A_147 = arith.constant 0 : i32
    %dma_wait3A_148 = tpu.memref_slice %arg4[%dma_wait3A_146, %dma_wait3A_147] : memref<1000000x64xf32, #tpu.memory_space<hbm>> -> memref<1000000x64xf32, #tpu.memory_space<hbm>>
    tpu.wait_indirect_dma semaphore(%arg16 : memref<!tpu.dma_semaphore, #tpu.memory_space<semaphore_mem>>) src(%dma_wait3A_148 : memref<1000000x64xf32, #tpu.memory_space<hbm>>) dst(%dma_wait3A_143 : memref<128x64xf32, #tpu.memory_space<vmem>>)
    %dma_wait3A_149 = arith.constant 128 : i32
    %dma_wait3A_150 = arith.constant 0 : i32
    %dma_wait3A_151 = tpu.memref_slice %arg12[%dma_wait3A_149, %dma_wait3A_150] : memref<512x64xf32, #tpu.memory_space<vmem>> -> memref<128x64xf32, #tpu.memory_space<vmem>>
    %dma_wait3A_152 = arith.constant 128 : i32
    %dma_wait3A_153 = tpu.memref_slice %arg10[%dma_wait3A_152] : memref<512xi32, #tpu.memory_space<vmem>> -> memref<128xi32, #tpu.memory_space<vmem>>
    %dma_wait3A_154 = arith.constant 0 : i32
    %dma_wait3A_155 = arith.constant 0 : i32
    %dma_wait3A_156 = tpu.memref_slice %arg5[%dma_wait3A_154, %dma_wait3A_155] : memref<1000000x64xf32, #tpu.memory_space<hbm>> -> memref<1000000x64xf32, #tpu.memory_space<hbm>>
    tpu.wait_indirect_dma semaphore(%arg16 : memref<!tpu.dma_semaphore, #tpu.memory_space<semaphore_mem>>) src(%dma_wait3A_156 : memref<1000000x64xf32, #tpu.memory_space<hbm>>) dst(%dma_wait3A_151 : memref<128x64xf32, #tpu.memory_space<vmem>>)
    %dma_wait3A_157 = arith.constant 128 : i32
    %dma_wait3A_158 = tpu.memref_slice %arg13[%dma_wait3A_157] : memref<512xf32, #tpu.memory_space<vmem>> -> memref<128xf32, #tpu.memory_space<vmem>>
    %dma_wait3A_159 = arith.constant 128 : i32
    %dma_wait3A_160 = tpu.memref_slice %arg9[%dma_wait3A_159] : memref<512xi32, #tpu.memory_space<vmem>> -> memref<128xi32, #tpu.memory_space<vmem>>
    %dma_wait3A_161 = arith.constant 0 : i32
    %dma_wait3A_162 = tpu.memref_slice %arg6[%dma_wait3A_161] : memref<1000000xf32, #tpu.memory_space<hbm>> -> memref<1000000xf32, #tpu.memory_space<hbm>>
    tpu.wait_indirect_dma semaphore(%arg16 : memref<!tpu.dma_semaphore, #tpu.memory_space<semaphore_mem>>) src(%dma_wait3A_162 : memref<1000000xf32, #tpu.memory_space<hbm>>) dst(%dma_wait3A_158 : memref<128xf32, #tpu.memory_space<vmem>>)
    %dma_wait3A_163 = arith.constant 128 : i32
    %dma_wait3A_164 = tpu.memref_slice %arg14[%dma_wait3A_163] : memref<512xf32, #tpu.memory_space<vmem>> -> memref<128xf32, #tpu.memory_space<vmem>>
    %dma_wait3A_165 = arith.constant 128 : i32
    %dma_wait3A_166 = tpu.memref_slice %arg10[%dma_wait3A_165] : memref<512xi32, #tpu.memory_space<vmem>> -> memref<128xi32, #tpu.memory_space<vmem>>
    %dma_wait3A_167 = arith.constant 0 : i32
    %dma_wait3A_168 = tpu.memref_slice %arg7[%dma_wait3A_167] : memref<1000000xf32, #tpu.memory_space<hbm>> -> memref<1000000xf32, #tpu.memory_space<hbm>>
    tpu.wait_indirect_dma semaphore(%arg16 : memref<!tpu.dma_semaphore, #tpu.memory_space<semaphore_mem>>) src(%dma_wait3A_168 : memref<1000000xf32, #tpu.memory_space<hbm>>) dst(%dma_wait3A_164 : memref<128xf32, #tpu.memory_space<vmem>>)
    %dma_wait3A_169 = arith.constant 256 : i32
    %dma_wait3A_170 = arith.constant 0 : i32
    %dma_wait3A_171 = tpu.memref_slice %arg11[%dma_wait3A_169, %dma_wait3A_170] : memref<512x64xf32, #tpu.memory_space<vmem>> -> memref<128x64xf32, #tpu.memory_space<vmem>>
    %dma_wait3A_172 = arith.constant 256 : i32
    %dma_wait3A_173 = tpu.memref_slice %arg9[%dma_wait3A_172] : memref<512xi32, #tpu.memory_space<vmem>> -> memref<128xi32, #tpu.memory_space<vmem>>
    %dma_wait3A_174 = arith.constant 0 : i32
    %dma_wait3A_175 = arith.constant 0 : i32
    %dma_wait3A_176 = tpu.memref_slice %arg4[%dma_wait3A_174, %dma_wait3A_175] : memref<1000000x64xf32, #tpu.memory_space<hbm>> -> memref<1000000x64xf32, #tpu.memory_space<hbm>>
    tpu.wait_indirect_dma semaphore(%arg16 : memref<!tpu.dma_semaphore, #tpu.memory_space<semaphore_mem>>) src(%dma_wait3A_176 : memref<1000000x64xf32, #tpu.memory_space<hbm>>) dst(%dma_wait3A_171 : memref<128x64xf32, #tpu.memory_space<vmem>>)
    %dma_wait3A_177 = arith.constant 256 : i32
    %dma_wait3A_178 = arith.constant 0 : i32
    %dma_wait3A_179 = tpu.memref_slice %arg12[%dma_wait3A_177, %dma_wait3A_178] : memref<512x64xf32, #tpu.memory_space<vmem>> -> memref<128x64xf32, #tpu.memory_space<vmem>>
    %dma_wait3A_180 = arith.constant 256 : i32
    %dma_wait3A_181 = tpu.memref_slice %arg10[%dma_wait3A_180] : memref<512xi32, #tpu.memory_space<vmem>> -> memref<128xi32, #tpu.memory_space<vmem>>
    %dma_wait3A_182 = arith.constant 0 : i32
    %dma_wait3A_183 = arith.constant 0 : i32
    %dma_wait3A_184 = tpu.memref_slice %arg5[%dma_wait3A_182, %dma_wait3A_183] : memref<1000000x64xf32, #tpu.memory_space<hbm>> -> memref<1000000x64xf32, #tpu.memory_space<hbm>>
    tpu.wait_indirect_dma semaphore(%arg16 : memref<!tpu.dma_semaphore, #tpu.memory_space<semaphore_mem>>) src(%dma_wait3A_184 : memref<1000000x64xf32, #tpu.memory_space<hbm>>) dst(%dma_wait3A_179 : memref<128x64xf32, #tpu.memory_space<vmem>>)
    %dma_wait3A_185 = arith.constant 256 : i32
    %dma_wait3A_186 = tpu.memref_slice %arg13[%dma_wait3A_185] : memref<512xf32, #tpu.memory_space<vmem>> -> memref<128xf32, #tpu.memory_space<vmem>>
    %dma_wait3A_187 = arith.constant 256 : i32
    %dma_wait3A_188 = tpu.memref_slice %arg9[%dma_wait3A_187] : memref<512xi32, #tpu.memory_space<vmem>> -> memref<128xi32, #tpu.memory_space<vmem>>
    %dma_wait3A_189 = arith.constant 0 : i32
    %dma_wait3A_190 = tpu.memref_slice %arg6[%dma_wait3A_189] : memref<1000000xf32, #tpu.memory_space<hbm>> -> memref<1000000xf32, #tpu.memory_space<hbm>>
    tpu.wait_indirect_dma semaphore(%arg16 : memref<!tpu.dma_semaphore, #tpu.memory_space<semaphore_mem>>) src(%dma_wait3A_190 : memref<1000000xf32, #tpu.memory_space<hbm>>) dst(%dma_wait3A_186 : memref<128xf32, #tpu.memory_space<vmem>>)
    %dma_wait3A_191 = arith.constant 256 : i32
    %dma_wait3A_192 = tpu.memref_slice %arg14[%dma_wait3A_191] : memref<512xf32, #tpu.memory_space<vmem>> -> memref<128xf32, #tpu.memory_space<vmem>>
    %dma_wait3A_193 = arith.constant 256 : i32
    %dma_wait3A_194 = tpu.memref_slice %arg10[%dma_wait3A_193] : memref<512xi32, #tpu.memory_space<vmem>> -> memref<128xi32, #tpu.memory_space<vmem>>
    %dma_wait3A_195 = arith.constant 0 : i32
    %dma_wait3A_196 = tpu.memref_slice %arg7[%dma_wait3A_195] : memref<1000000xf32, #tpu.memory_space<hbm>> -> memref<1000000xf32, #tpu.memory_space<hbm>>
    tpu.wait_indirect_dma semaphore(%arg16 : memref<!tpu.dma_semaphore, #tpu.memory_space<semaphore_mem>>) src(%dma_wait3A_196 : memref<1000000xf32, #tpu.memory_space<hbm>>) dst(%dma_wait3A_192 : memref<128xf32, #tpu.memory_space<vmem>>)
    %dma_wait3A_197 = arith.constant 384 : i32
    %dma_wait3A_198 = arith.constant 0 : i32
    %dma_wait3A_199 = tpu.memref_slice %arg11[%dma_wait3A_197, %dma_wait3A_198] : memref<512x64xf32, #tpu.memory_space<vmem>> -> memref<128x64xf32, #tpu.memory_space<vmem>>
    %dma_wait3A_200 = arith.constant 384 : i32
    %dma_wait3A_201 = tpu.memref_slice %arg9[%dma_wait3A_200] : memref<512xi32, #tpu.memory_space<vmem>> -> memref<128xi32, #tpu.memory_space<vmem>>
    %dma_wait3A_202 = arith.constant 0 : i32
    %dma_wait3A_203 = arith.constant 0 : i32
    %dma_wait3A_204 = tpu.memref_slice %arg4[%dma_wait3A_202, %dma_wait3A_203] : memref<1000000x64xf32, #tpu.memory_space<hbm>> -> memref<1000000x64xf32, #tpu.memory_space<hbm>>
    tpu.wait_indirect_dma semaphore(%arg16 : memref<!tpu.dma_semaphore, #tpu.memory_space<semaphore_mem>>) src(%dma_wait3A_204 : memref<1000000x64xf32, #tpu.memory_space<hbm>>) dst(%dma_wait3A_199 : memref<128x64xf32, #tpu.memory_space<vmem>>)
    %dma_wait3A_205 = arith.constant 384 : i32
    %dma_wait3A_206 = arith.constant 0 : i32
    %dma_wait3A_207 = tpu.memref_slice %arg12[%dma_wait3A_205, %dma_wait3A_206] : memref<512x64xf32, #tpu.memory_space<vmem>> -> memref<128x64xf32, #tpu.memory_space<vmem>>
    %dma_wait3A_208 = arith.constant 384 : i32
    %dma_wait3A_209 = tpu.memref_slice %arg10[%dma_wait3A_208] : memref<512xi32, #tpu.memory_space<vmem>> -> memref<128xi32, #tpu.memory_space<vmem>>
    %dma_wait3A_210 = arith.constant 0 : i32
    %dma_wait3A_211 = arith.constant 0 : i32
    %dma_wait3A_212 = tpu.memref_slice %arg5[%dma_wait3A_210, %dma_wait3A_211] : memref<1000000x64xf32, #tpu.memory_space<hbm>> -> memref<1000000x64xf32, #tpu.memory_space<hbm>>
    tpu.wait_indirect_dma semaphore(%arg16 : memref<!tpu.dma_semaphore, #tpu.memory_space<semaphore_mem>>) src(%dma_wait3A_212 : memref<1000000x64xf32, #tpu.memory_space<hbm>>) dst(%dma_wait3A_207 : memref<128x64xf32, #tpu.memory_space<vmem>>)
    %dma_wait3A_213 = arith.constant 384 : i32
    %dma_wait3A_214 = tpu.memref_slice %arg13[%dma_wait3A_213] : memref<512xf32, #tpu.memory_space<vmem>> -> memref<128xf32, #tpu.memory_space<vmem>>
    %dma_wait3A_215 = arith.constant 384 : i32
    %dma_wait3A_216 = tpu.memref_slice %arg9[%dma_wait3A_215] : memref<512xi32, #tpu.memory_space<vmem>> -> memref<128xi32, #tpu.memory_space<vmem>>
    %dma_wait3A_217 = arith.constant 0 : i32
    %dma_wait3A_218 = tpu.memref_slice %arg6[%dma_wait3A_217] : memref<1000000xf32, #tpu.memory_space<hbm>> -> memref<1000000xf32, #tpu.memory_space<hbm>>
    tpu.wait_indirect_dma semaphore(%arg16 : memref<!tpu.dma_semaphore, #tpu.memory_space<semaphore_mem>>) src(%dma_wait3A_218 : memref<1000000xf32, #tpu.memory_space<hbm>>) dst(%dma_wait3A_214 : memref<128xf32, #tpu.memory_space<vmem>>)
    %dma_wait3A_219 = arith.constant 384 : i32
    %dma_wait3A_220 = tpu.memref_slice %arg14[%dma_wait3A_219] : memref<512xf32, #tpu.memory_space<vmem>> -> memref<128xf32, #tpu.memory_space<vmem>>
    %dma_wait3A_221 = arith.constant 384 : i32
    %dma_wait3A_222 = tpu.memref_slice %arg10[%dma_wait3A_221] : memref<512xi32, #tpu.memory_space<vmem>> -> memref<128xi32, #tpu.memory_space<vmem>>
    %dma_wait3A_223 = arith.constant 0 : i32
    %dma_wait3A_224 = tpu.memref_slice %arg7[%dma_wait3A_223] : memref<1000000xf32, #tpu.memory_space<hbm>> -> memref<1000000xf32, #tpu.memory_space<hbm>>
    tpu.wait_indirect_dma semaphore(%arg16 : memref<!tpu.dma_semaphore, #tpu.memory_space<semaphore_mem>>) src(%dma_wait3A_224 : memref<1000000xf32, #tpu.memory_space<hbm>>) dst(%dma_wait3A_220 : memref<128xf32, #tpu.memory_space<vmem>>)
    %iota3A = tpu.iota {dimensions = array<i32: 0>} : vector<16xi32>
    %scan3A = arith.constant 0 : i32
    %scan3A_225 = arith.constant 0 : i32
    %scan3A_226 = arith.constant 32 : i32
    %scan3A_227 = arith.addi %scan3A_225, %scan3A_226 : i32
    %scan3A_228 = arith.constant 1 : i32
    scf.for %scan3A_230 = %scan3A_225 to %scan3A_227 step %scan3A_228  : i32 {
      %mul3A_231 = arith.constant 16 : i32
      %mul3A_232 = arith.muli %scan3A_230, %mul3A_231 : i32
      %get3A = arith.index_cast %mul3A_232 : i32 to index
      %get3A_233 = tpu.vector_load %arg13[%get3A] {strides = array<i32>} : memref<512xf32, #tpu.memory_space<vmem>>, vector<16xf32>,
      %mul3A_234 = arith.constant 16 : i32
      %mul3A_235 = arith.muli %scan3A_230, %mul3A_234 : i32
      %get3A_236 = arith.index_cast %mul3A_235 : i32 to index
      %get3A_237 = tpu.vector_load %arg14[%get3A_236] {strides = array<i32>} : memref<512xf32, #tpu.memory_space<vmem>>, vector<16xf32>,
      %add3A_238 = arith.addf %get3A_233, %get3A_237 : vector<16xf32>
      %mul3A_239 = arith.constant 16 : i32
      %mul3A_240 = arith.muli %scan3A_230, %mul3A_239 : i32
      %add3A_241 = arith.constant 0 : i32
      %add3A_242 = arith.addi %mul3A_240, %add3A_241 : i32
      %get3A_243 = arith.constant 0 : i32
      %get3A_244 = tpu.memref_slice %arg11[%add3A_242, %get3A_243] : memref<512x64xf32, #tpu.memory_space<vmem>> -> memref<1x64xf32, #tpu.memory_space<vmem>>
      %get3A_245 = tpu.memref_squeeze %get3A_244 : memref<1x64xf32, #tpu.memory_space<vmem>> -> memref<64xf32, #tpu.memory_space<vmem>>
      %get3A_246 = arith.constant 0 : index
      %get3A_247 = tpu.vector_load %get3A_245[%get3A_246] {strides = array<i32>} : memref<64xf32, #tpu.memory_space<vmem>>, vector<16xf32>,
      %get3A_248 = arith.constant 0 : i32
      %get3A_249 = tpu.memref_slice %arg12[%add3A_242, %get3A_248] : memref<512x64xf32, #tpu.memory_space<vmem>> -> memref<1x64xf32, #tpu.memory_space<vmem>>
      %get3A_250 = tpu.memref_squeeze %get3A_249 : memref<1x64xf32, #tpu.memory_space<vmem>> -> memref<64xf32, #tpu.memory_space<vmem>>
      %get3A_251 = arith.constant 0 : index
      %get3A_252 = tpu.vector_load %get3A_250[%get3A_251] {strides = array<i32>} : memref<64xf32, #tpu.memory_space<vmem>>, vector<16xf32>,
      %mul3A_253 = arith.mulf %get3A_247, %get3A_252 : vector<16xf32>
      %get3A_254 = arith.constant 0 : i32
      %get3A_255 = tpu.memref_slice %arg11[%add3A_242, %get3A_254] : memref<512x64xf32, #tpu.memory_space<vmem>> -> memref<1x64xf32, #tpu.memory_space<vmem>>
      %get3A_256 = tpu.memref_squeeze %get3A_255 : memref<1x64xf32, #tpu.memory_space<vmem>> -> memref<64xf32, #tpu.memory_space<vmem>>
      %get3A_257 = arith.constant 16 : index
      %get3A_258 = tpu.vector_load %get3A_256[%get3A_257] {strides = array<i32>} : memref<64xf32, #tpu.memory_space<vmem>>, vector<16xf32>,
      %get3A_259 = arith.constant 0 : i32
      %get3A_260 = tpu.memref_slice %arg12[%add3A_242, %get3A_259] : memref<512x64xf32, #tpu.memory_space<vmem>> -> memref<1x64xf32, #tpu.memory_space<vmem>>
      %get3A_261 = tpu.memref_squeeze %get3A_260 : memref<1x64xf32, #tpu.memory_space<vmem>> -> memref<64xf32, #tpu.memory_space<vmem>>
      %get3A_262 = arith.constant 16 : index
      %get3A_263 = tpu.vector_load %get3A_261[%get3A_262] {strides = array<i32>} : memref<64xf32, #tpu.memory_space<vmem>>, vector<16xf32>,
      %mul3A_264 = arith.mulf %get3A_258, %get3A_263 : vector<16xf32>
      %add3A_265 = arith.addf %mul3A_253, %mul3A_264 : vector<16xf32>
      %get3A_266 = arith.constant 0 : i32
      %get3A_267 = tpu.memref_slice %arg11[%add3A_242, %get3A_266] : memref<512x64xf32, #tpu.memory_space<vmem>> -> memref<1x64xf32, #tpu.memory_space<vmem>>
      %get3A_268 = tpu.memref_squeeze %get3A_267 : memref<1x64xf32, #tpu.memory_space<vmem>> -> memref<64xf32, #tpu.memory_space<vmem>>
      %get3A_269 = arith.constant 32 : index
      %get3A_270 = tpu.vector_load %get3A_268[%get3A_269] {strides = array<i32>} : memref<64xf32, #tpu.memory_space<vmem>>, vector<16xf32>,
      %get3A_271 = arith.constant 0 : i32
      %get3A_272 = tpu.memref_slice %arg12[%add3A_242, %get3A_271] : memref<512x64xf32, #tpu.memory_space<vmem>> -> memref<1x64xf32, #tpu.memory_space<vmem>>
      %get3A_273 = tpu.memref_squeeze %get3A_272 : memref<1x64xf32, #tpu.memory_space<vmem>> -> memref<64xf32, #tpu.memory_space<vmem>>
      %get3A_274 = arith.constant 32 : index
      %get3A_275 = tpu.vector_load %get3A_273[%get3A_274] {strides = array<i32>} : memref<64xf32, #tpu.memory_space<vmem>>, vector<16xf32>,
      %mul3A_276 = arith.mulf %get3A_270, %get3A_275 : vector<16xf32>
      %add3A_277 = arith.addf %add3A_265, %mul3A_276 : vector<16xf32>
      %get3A_278 = arith.constant 0 : i32
      %get3A_279 = tpu.memref_slice %arg11[%add3A_242, %get3A_278] : memref<512x64xf32, #tpu.memory_space<vmem>> -> memref<1x64xf32, #tpu.memory_space<vmem>>
      %get3A_280 = tpu.memref_squeeze %get3A_279 : memref<1x64xf32, #tpu.memory_space<vmem>> -> memref<64xf32, #tpu.memory_space<vmem>>
      %get3A_281 = arith.constant 48 : index
      %get3A_282 = tpu.vector_load %get3A_280[%get3A_281] {strides = array<i32>} : memref<64xf32, #tpu.memory_space<vmem>>, vector<16xf32>,
      %get3A_283 = arith.constant 0 : i32
      %get3A_284 = tpu.memref_slice %arg12[%add3A_242, %get3A_283] : memref<512x64xf32, #tpu.memory_space<vmem>> -> memref<1x64xf32, #tpu.memory_space<vmem>>
      %get3A_285 = tpu.memref_squeeze %get3A_284 : memref<1x64xf32, #tpu.memory_space<vmem>> -> memref<64xf32, #tpu.memory_space<vmem>>
      %get3A_286 = arith.constant 48 : index
      %get3A_287 = tpu.vector_load %get3A_285[%get3A_286] {strides = array<i32>} : memref<64xf32, #tpu.memory_space<vmem>>, vector<16xf32>,
      %mul3A_288 = arith.mulf %get3A_282, %get3A_287 : vector<16xf32>
      %add3A_289 = arith.addf %add3A_277, %mul3A_288 : vector<16xf32>
      %eq3A = arith.constant 0 : i32
      %eq3A_290 = vector.broadcast %eq3A : i32 to vector<16xi32>
      %eq3A_291 = arith.cmpi eq, %iota3A, %eq3A_290 : vector<16xi32>
      %reduce_sum3A = arith.constant true
      %reduce_sum3A_292 = vector.broadcast %reduce_sum3A : i1 to vector<16xi1>
      %reduce_sum3A_293 = tpu.scan <sum>, %add3A_289 masked %reduce_sum3A_292 : vector<16xf32>, vector<16xi1> -> vector<16xf32>
      %reduce_sum3A_294 = vector.extract %reduce_sum3A_293[15] : f32 from vector<16xf32>
      %add3A_295 = vector.broadcast %reduce_sum3A_294 : f32 to vector<16xf32>
      %add3A_296 = arith.addf %add3A_238, %add3A_295 : vector<16xf32>
      %select_n3A = arith.select %eq3A_291, %add3A_296, %add3A_238 : vector<16xi1>, vector<16xf32>
      %mul3A_297 = arith.constant 16 : i32
      %mul3A_298 = arith.muli %scan3A_230, %mul3A_297 : i32
      %add3A_299 = arith.constant 1 : i32
      %add3A_300 = arith.addi %mul3A_298, %add3A_299 : i32
      %get3A_301 = arith.constant 0 : i32
      %get3A_302 = tpu.memref_slice %arg11[%add3A_300, %get3A_301] : memref<512x64xf32, #tpu.memory_space<vmem>> -> memref<1x64xf32, #tpu.memory_space<vmem>>
      %get3A_303 = tpu.memref_squeeze %get3A_302 : memref<1x64xf32, #tpu.memory_space<vmem>> -> memref<64xf32, #tpu.memory_space<vmem>>
      %get3A_304 = arith.constant 0 : index
      %get3A_305 = tpu.vector_load %get3A_303[%get3A_304] {strides = array<i32>} : memref<64xf32, #tpu.memory_space<vmem>>, vector<16xf32>,
      %get3A_306 = arith.constant 0 : i32
      %get3A_307 = tpu.memref_slice %arg12[%add3A_300, %get3A_306] : memref<512x64xf32, #tpu.memory_space<vmem>> -> memref<1x64xf32, #tpu.memory_space<vmem>>
      %get3A_308 = tpu.memref_squeeze %get3A_307 : memref<1x64xf32, #tpu.memory_space<vmem>> -> memref<64xf32, #tpu.memory_space<vmem>>
      %get3A_309 = arith.constant 0 : index
      %get3A_310 = tpu.vector_load %get3A_308[%get3A_309] {strides = array<i32>} : memref<64xf32, #tpu.memory_space<vmem>>, vector<16xf32>,
      %mul3A_311 = arith.mulf %get3A_305, %get3A_310 : vector<16xf32>
      %get3A_312 = arith.constant 0 : i32
      %get3A_313 = tpu.memref_slice %arg11[%add3A_300, %get3A_312] : memref<512x64xf32, #tpu.memory_space<vmem>> -> memref<1x64xf32, #tpu.memory_space<vmem>>
      %get3A_314 = tpu.memref_squeeze %get3A_313 : memref<1x64xf32, #tpu.memory_space<vmem>> -> memref<64xf32, #tpu.memory_space<vmem>>
      %get3A_315 = arith.constant 16 : index
      %get3A_316 = tpu.vector_load %get3A_314[%get3A_315] {strides = array<i32>} : memref<64xf32, #tpu.memory_space<vmem>>, vector<16xf32>,
      %get3A_317 = arith.constant 0 : i32
      %get3A_318 = tpu.memref_slice %arg12[%add3A_300, %get3A_317] : memref<512x64xf32, #tpu.memory_space<vmem>> -> memref<1x64xf32, #tpu.memory_space<vmem>>
      %get3A_319 = tpu.memref_squeeze %get3A_318 : memref<1x64xf32, #tpu.memory_space<vmem>> -> memref<64xf32, #tpu.memory_space<vmem>>
      %get3A_320 = arith.constant 16 : index
      %get3A_321 = tpu.vector_load %get3A_319[%get3A_320] {strides = array<i32>} : memref<64xf32, #tpu.memory_space<vmem>>, vector<16xf32>,
      %mul3A_322 = arith.mulf %get3A_316, %get3A_321 : vector<16xf32>
      %add3A_323 = arith.addf %mul3A_311, %mul3A_322 : vector<16xf32>
      %get3A_324 = arith.constant 0 : i32
      %get3A_325 = tpu.memref_slice %arg11[%add3A_300, %get3A_324] : memref<512x64xf32, #tpu.memory_space<vmem>> -> memref<1x64xf32, #tpu.memory_space<vmem>>
      %get3A_326 = tpu.memref_squeeze %get3A_325 : memref<1x64xf32, #tpu.memory_space<vmem>> -> memref<64xf32, #tpu.memory_space<vmem>>
      %get3A_327 = arith.constant 32 : index
      %get3A_328 = tpu.vector_load %get3A_326[%get3A_327] {strides = array<i32>} : memref<64xf32, #tpu.memory_space<vmem>>, vector<16xf32>,
      %get3A_329 = arith.constant 0 : i32
      %get3A_330 = tpu.memref_slice %arg12[%add3A_300, %get3A_329] : memref<512x64xf32, #tpu.memory_space<vmem>> -> memref<1x64xf32, #tpu.memory_space<vmem>>
      %get3A_331 = tpu.memref_squeeze %get3A_330 : memref<1x64xf32, #tpu.memory_space<vmem>> -> memref<64xf32, #tpu.memory_space<vmem>>
      %get3A_332 = arith.constant 32 : index
      %get3A_333 = tpu.vector_load %get3A_331[%get3A_332] {strides = array<i32>} : memref<64xf32, #tpu.memory_space<vmem>>, vector<16xf32>,
      %mul3A_334 = arith.mulf %get3A_328, %get3A_333 : vector<16xf32>
      %add3A_335 = arith.addf %add3A_323, %mul3A_334 : vector<16xf32>
      %get3A_336 = arith.constant 0 : i32
      %get3A_337 = tpu.memref_slice %arg11[%add3A_300, %get3A_336] : memref<512x64xf32, #tpu.memory_space<vmem>> -> memref<1x64xf32, #tpu.memory_space<vmem>>
      %get3A_338 = tpu.memref_squeeze %get3A_337 : memref<1x64xf32, #tpu.memory_space<vmem>> -> memref<64xf32, #tpu.memory_space<vmem>>
      %get3A_339 = arith.constant 48 : index
      %get3A_340 = tpu.vector_load %get3A_338[%get3A_339] {strides = array<i32>} : memref<64xf32, #tpu.memory_space<vmem>>, vector<16xf32>,
      %get3A_341 = arith.constant 0 : i32
      %get3A_342 = tpu.memref_slice %arg12[%add3A_300, %get3A_341] : memref<512x64xf32, #tpu.memory_space<vmem>> -> memref<1x64xf32, #tpu.memory_space<vmem>>
      %get3A_343 = tpu.memref_squeeze %get3A_342 : memref<1x64xf32, #tpu.memory_space<vmem>> -> memref<64xf32, #tpu.memory_space<vmem>>
      %get3A_344 = arith.constant 48 : index
      %get3A_345 = tpu.vector_load %get3A_343[%get3A_344] {strides = array<i32>} : memref<64xf32, #tpu.memory_space<vmem>>, vector<16xf32>,
      %mul3A_346 = arith.mulf %get3A_340, %get3A_345 : vector<16xf32>
      %add3A_347 = arith.addf %add3A_335, %mul3A_346 : vector<16xf32>
      %eq3A_348 = arith.constant 1 : i32
      %eq3A_349 = vector.broadcast %eq3A_348 : i32 to vector<16xi32>
      %eq3A_350 = arith.cmpi eq, %iota3A, %eq3A_349 : vector<16xi32>
      %reduce_sum3A_351 = arith.constant true
      %reduce_sum3A_352 = vector.broadcast %reduce_sum3A_351 : i1 to vector<16xi1>
      %reduce_sum3A_353 = tpu.scan <sum>, %add3A_347 masked %reduce_sum3A_352 : vector<16xf32>, vector<16xi1> -> vector<16xf32>
      %reduce_sum3A_354 = vector.extract %reduce_sum3A_353[15] : f32 from vector<16xf32>
      %add3A_355 = vector.broadcast %reduce_sum3A_354 : f32 to vector<16xf32>
      %add3A_356 = arith.addf %select_n3A, %add3A_355 : vector<16xf32>
      %select_n3A_357 = arith.select %eq3A_350, %add3A_356, %select_n3A : vector<16xi1>, vector<16xf32>
      %mul3A_358 = arith.constant 16 : i32
      %mul3A_359 = arith.muli %scan3A_230, %mul3A_358 : i32
      %add3A_360 = arith.constant 2 : i32
      %add3A_361 = arith.addi %mul3A_359, %add3A_360 : i32
      %get3A_362 = arith.constant 0 : i32
      %get3A_363 = tpu.memref_slice %arg11[%add3A_361, %get3A_362] : memref<512x64xf32, #tpu.memory_space<vmem>> -> memref<1x64xf32, #tpu.memory_space<vmem>>
      %get3A_364 = tpu.memref_squeeze %get3A_363 : memref<1x64xf32, #tpu.memory_space<vmem>> -> memref<64xf32, #tpu.memory_space<vmem>>
      %get3A_365 = arith.constant 0 : index
      %get3A_366 = tpu.vector_load %get3A_364[%get3A_365] {strides = array<i32>} : memref<64xf32, #tpu.memory_space<vmem>>, vector<16xf32>,
      %get3A_367 = arith.constant 0 : i32
      %get3A_368 = tpu.memref_slice %arg12[%add3A_361, %get3A_367] : memref<512x64xf32, #tpu.memory_space<vmem>> -> memref<1x64xf32, #tpu.memory_space<vmem>>
      %get3A_369 = tpu.memref_squeeze %get3A_368 : memref<1x64xf32, #tpu.memory_space<vmem>> -> memref<64xf32, #tpu.memory_space<vmem>>
      %get3A_370 = arith.constant 0 : index
      %get3A_371 = tpu.vector_load %get3A_369[%get3A_370] {strides = array<i32>} : memref<64xf32, #tpu.memory_space<vmem>>, vector<16xf32>,
      %mul3A_372 = arith.mulf %get3A_366, %get3A_371 : vector<16xf32>
      %get3A_373 = arith.constant 0 : i32
      %get3A_374 = tpu.memref_slice %arg11[%add3A_361, %get3A_373] : memref<512x64xf32, #tpu.memory_space<vmem>> -> memref<1x64xf32, #tpu.memory_space<vmem>>
      %get3A_375 = tpu.memref_squeeze %get3A_374 : memref<1x64xf32, #tpu.memory_space<vmem>> -> memref<64xf32, #tpu.memory_space<vmem>>
      %get3A_376 = arith.constant 16 : index
      %get3A_377 = tpu.vector_load %get3A_375[%get3A_376] {strides = array<i32>} : memref<64xf32, #tpu.memory_space<vmem>>, vector<16xf32>,
      %get3A_378 = arith.constant 0 : i32
      %get3A_379 = tpu.memref_slice %arg12[%add3A_361, %get3A_378] : memref<512x64xf32, #tpu.memory_space<vmem>> -> memref<1x64xf32, #tpu.memory_space<vmem>>
      %get3A_380 = tpu.memref_squeeze %get3A_379 : memref<1x64xf32, #tpu.memory_space<vmem>> -> memref<64xf32, #tpu.memory_space<vmem>>
      %get3A_381 = arith.constant 16 : index
      %get3A_382 = tpu.vector_load %get3A_380[%get3A_381] {strides = array<i32>} : memref<64xf32, #tpu.memory_space<vmem>>, vector<16xf32>,
      %mul3A_383 = arith.mulf %get3A_377, %get3A_382 : vector<16xf32>
      %add3A_384 = arith.addf %mul3A_372, %mul3A_383 : vector<16xf32>
      %get3A_385 = arith.constant 0 : i32
      %get3A_386 = tpu.memref_slice %arg11[%add3A_361, %get3A_385] : memref<512x64xf32, #tpu.memory_space<vmem>> -> memref<1x64xf32, #tpu.memory_space<vmem>>
      %get3A_387 = tpu.memref_squeeze %get3A_386 : memref<1x64xf32, #tpu.memory_space<vmem>> -> memref<64xf32, #tpu.memory_space<vmem>>
      %get3A_388 = arith.constant 32 : index
      %get3A_389 = tpu.vector_load %get3A_387[%get3A_388] {strides = array<i32>} : memref<64xf32, #tpu.memory_space<vmem>>, vector<16xf32>,
      %get3A_390 = arith.constant 0 : i32
      %get3A_391 = tpu.memref_slice %arg12[%add3A_361, %get3A_390] : memref<512x64xf32, #tpu.memory_space<vmem>> -> memref<1x64xf32, #tpu.memory_space<vmem>>
      %get3A_392 = tpu.memref_squeeze %get3A_391 : memref<1x64xf32, #tpu.memory_space<vmem>> -> memref<64xf32, #tpu.memory_space<vmem>>
      %get3A_393 = arith.constant 32 : index
      %get3A_394 = tpu.vector_load %get3A_392[%get3A_393] {strides = array<i32>} : memref<64xf32, #tpu.memory_space<vmem>>, vector<16xf32>,
      %mul3A_395 = arith.mulf %get3A_389, %get3A_394 : vector<16xf32>
      %add3A_396 = arith.addf %add3A_384, %mul3A_395 : vector<16xf32>
      %get3A_397 = arith.constant 0 : i32
      %get3A_398 = tpu.memref_slice %arg11[%add3A_361, %get3A_397] : memref<512x64xf32, #tpu.memory_space<vmem>> -> memref<1x64xf32, #tpu.memory_space<vmem>>
      %get3A_399 = tpu.memref_squeeze %get3A_398 : memref<1x64xf32, #tpu.memory_space<vmem>> -> memref<64xf32, #tpu.memory_space<vmem>>
      %get3A_400 = arith.constant 48 : index
      %get3A_401 = tpu.vector_load %get3A_399[%get3A_400] {strides = array<i32>} : memref<64xf32, #tpu.memory_space<vmem>>, vector<16xf32>,
      %get3A_402 = arith.constant 0 : i32
      %get3A_403 = tpu.memref_slice %arg12[%add3A_361, %get3A_402] : memref<512x64xf32, #tpu.memory_space<vmem>> -> memref<1x64xf32, #tpu.memory_space<vmem>>
      %get3A_404 = tpu.memref_squeeze %get3A_403 : memref<1x64xf32, #tpu.memory_space<vmem>> -> memref<64xf32, #tpu.memory_space<vmem>>
      %get3A_405 = arith.constant 48 : index
      %get3A_406 = tpu.vector_load %get3A_404[%get3A_405] {strides = array<i32>} : memref<64xf32, #tpu.memory_space<vmem>>, vector<16xf32>,
      %mul3A_407 = arith.mulf %get3A_401, %get3A_406 : vector<16xf32>
      %add3A_408 = arith.addf %add3A_396, %mul3A_407 : vector<16xf32>
      %eq3A_409 = arith.constant 2 : i32
      %eq3A_410 = vector.broadcast %eq3A_409 : i32 to vector<16xi32>
      %eq3A_411 = arith.cmpi eq, %iota3A, %eq3A_410 : vector<16xi32>
      %reduce_sum3A_412 = arith.constant true
      %reduce_sum3A_413 = vector.broadcast %reduce_sum3A_412 : i1 to vector<16xi1>
      %reduce_sum3A_414 = tpu.scan <sum>, %add3A_408 masked %reduce_sum3A_413 : vector<16xf32>, vector<16xi1> -> vector<16xf32>
      %reduce_sum3A_415 = vector.extract %reduce_sum3A_414[15] : f32 from vector<16xf32>
      %add3A_416 = vector.broadcast %reduce_sum3A_415 : f32 to vector<16xf32>
      %add3A_417 = arith.addf %select_n3A_357, %add3A_416 : vector<16xf32>
      %select_n3A_418 = arith.select %eq3A_411, %add3A_417, %select_n3A_357 : vector<16xi1>, vector<16xf32>
      %mul3A_419 = arith.constant 16 : i32
      %mul3A_420 = arith.muli %scan3A_230, %mul3A_419 : i32
      %add3A_421 = arith.constant 3 : i32
      %add3A_422 = arith.addi %mul3A_420, %add3A_421 : i32
      %get3A_423 = arith.constant 0 : i32
      %get3A_424 = tpu.memref_slice %arg11[%add3A_422, %get3A_423] : memref<512x64xf32, #tpu.memory_space<vmem>> -> memref<1x64xf32, #tpu.memory_space<vmem>>
      %get3A_425 = tpu.memref_squeeze %get3A_424 : memref<1x64xf32, #tpu.memory_space<vmem>> -> memref<64xf32, #tpu.memory_space<vmem>>
      %get3A_426 = arith.constant 0 : index
      %get3A_427 = tpu.vector_load %get3A_425[%get3A_426] {strides = array<i32>} : memref<64xf32, #tpu.memory_space<vmem>>, vector<16xf32>,
      %get3A_428 = arith.constant 0 : i32
      %get3A_429 = tpu.memref_slice %arg12[%add3A_422, %get3A_428] : memref<512x64xf32, #tpu.memory_space<vmem>> -> memref<1x64xf32, #tpu.memory_space<vmem>>
      %get3A_430 = tpu.memref_squeeze %get3A_429 : memref<1x64xf32, #tpu.memory_space<vmem>> -> memref<64xf32, #tpu.memory_space<vmem>>
      %get3A_431 = arith.constant 0 : index
      %get3A_432 = tpu.vector_load %get3A_430[%get3A_431] {strides = array<i32>} : memref<64xf32, #tpu.memory_space<vmem>>, vector<16xf32>,
      %mul3A_433 = arith.mulf %get3A_427, %get3A_432 : vector<16xf32>
      %get3A_434 = arith.constant 0 : i32
      %get3A_435 = tpu.memref_slice %arg11[%add3A_422, %get3A_434] : memref<512x64xf32, #tpu.memory_space<vmem>> -> memref<1x64xf32, #tpu.memory_space<vmem>>
      %get3A_436 = tpu.memref_squeeze %get3A_435 : memref<1x64xf32, #tpu.memory_space<vmem>> -> memref<64xf32, #tpu.memory_space<vmem>>
      %get3A_437 = arith.constant 16 : index
      %get3A_438 = tpu.vector_load %get3A_436[%get3A_437] {strides = array<i32>} : memref<64xf32, #tpu.memory_space<vmem>>, vector<16xf32>,
      %get3A_439 = arith.constant 0 : i32
      %get3A_440 = tpu.memref_slice %arg12[%add3A_422, %get3A_439] : memref<512x64xf32, #tpu.memory_space<vmem>> -> memref<1x64xf32, #tpu.memory_space<vmem>>
      %get3A_441 = tpu.memref_squeeze %get3A_440 : memref<1x64xf32, #tpu.memory_space<vmem>> -> memref<64xf32, #tpu.memory_space<vmem>>
      %get3A_442 = arith.constant 16 : index
      %get3A_443 = tpu.vector_load %get3A_441[%get3A_442] {strides = array<i32>} : memref<64xf32, #tpu.memory_space<vmem>>, vector<16xf32>,
      %mul3A_444 = arith.mulf %get3A_438, %get3A_443 : vector<16xf32>
      %add3A_445 = arith.addf %mul3A_433, %mul3A_444 : vector<16xf32>
      %get3A_446 = arith.constant 0 : i32
      %get3A_447 = tpu.memref_slice %arg11[%add3A_422, %get3A_446] : memref<512x64xf32, #tpu.memory_space<vmem>> -> memref<1x64xf32, #tpu.memory_space<vmem>>
      %get3A_448 = tpu.memref_squeeze %get3A_447 : memref<1x64xf32, #tpu.memory_space<vmem>> -> memref<64xf32, #tpu.memory_space<vmem>>
      %get3A_449 = arith.constant 32 : index
      %get3A_450 = tpu.vector_load %get3A_448[%get3A_449] {strides = array<i32>} : memref<64xf32, #tpu.memory_space<vmem>>, vector<16xf32>,
      %get3A_451 = arith.constant 0 : i32
      %get3A_452 = tpu.memref_slice %arg12[%add3A_422, %get3A_451] : memref<512x64xf32, #tpu.memory_space<vmem>> -> memref<1x64xf32, #tpu.memory_space<vmem>>
      %get3A_453 = tpu.memref_squeeze %get3A_452 : memref<1x64xf32, #tpu.memory_space<vmem>> -> memref<64xf32, #tpu.memory_space<vmem>>
      %get3A_454 = arith.constant 32 : index
      %get3A_455 = tpu.vector_load %get3A_453[%get3A_454] {strides = array<i32>} : memref<64xf32, #tpu.memory_space<vmem>>, vector<16xf32>,
      %mul3A_456 = arith.mulf %get3A_450, %get3A_455 : vector<16xf32>
      %add3A_457 = arith.addf %add3A_445, %mul3A_456 : vector<16xf32>
      %get3A_458 = arith.constant 0 : i32
      %get3A_459 = tpu.memref_slice %arg11[%add3A_422, %get3A_458] : memref<512x64xf32, #tpu.memory_space<vmem>> -> memref<1x64xf32, #tpu.memory_space<vmem>>
      %get3A_460 = tpu.memref_squeeze %get3A_459 : memref<1x64xf32, #tpu.memory_space<vmem>> -> memref<64xf32, #tpu.memory_space<vmem>>
      %get3A_461 = arith.constant 48 : index
      %get3A_462 = tpu.vector_load %get3A_460[%get3A_461] {strides = array<i32>} : memref<64xf32, #tpu.memory_space<vmem>>, vector<16xf32>,
      %get3A_463 = arith.constant 0 : i32
      %get3A_464 = tpu.memref_slice %arg12[%add3A_422, %get3A_463] : memref<512x64xf32, #tpu.memory_space<vmem>> -> memref<1x64xf32, #tpu.memory_space<vmem>>
      %get3A_465 = tpu.memref_squeeze %get3A_464 : memref<1x64xf32, #tpu.memory_space<vmem>> -> memref<64xf32, #tpu.memory_space<vmem>>
      %get3A_466 = arith.constant 48 : index
      %get3A_467 = tpu.vector_load %get3A_465[%get3A_466] {strides = array<i32>} : memref<64xf32, #tpu.memory_space<vmem>>, vector<16xf32>,
      %mul3A_468 = arith.mulf %get3A_462, %get3A_467 : vector<16xf32>
      %add3A_469 = arith.addf %add3A_457, %mul3A_468 : vector<16xf32>
      %eq3A_470 = arith.constant 3 : i32
      %eq3A_471 = vector.broadcast %eq3A_470 : i32 to vector<16xi32>
      %eq3A_472 = arith.cmpi eq, %iota3A, %eq3A_471 : vector<16xi32>
      %reduce_sum3A_473 = arith.constant true
      %reduce_sum3A_474 = vector.broadcast %reduce_sum3A_473 : i1 to vector<16xi1>
      %reduce_sum3A_475 = tpu.scan <sum>, %add3A_469 masked %reduce_sum3A_474 : vector<16xf32>, vector<16xi1> -> vector<16xf32>
      %reduce_sum3A_476 = vector.extract %reduce_sum3A_475[15] : f32 from vector<16xf32>
      %add3A_477 = vector.broadcast %reduce_sum3A_476 : f32 to vector<16xf32>
      %add3A_478 = arith.addf %select_n3A_418, %add3A_477 : vector<16xf32>
      %select_n3A_479 = arith.select %eq3A_472, %add3A_478, %select_n3A_418 : vector<16xi1>, vector<16xf32>
      %mul3A_480 = arith.constant 16 : i32
      %mul3A_481 = arith.muli %scan3A_230, %mul3A_480 : i32
      %add3A_482 = arith.constant 4 : i32
      %add3A_483 = arith.addi %mul3A_481, %add3A_482 : i32
      %get3A_484 = arith.constant 0 : i32
      %get3A_485 = tpu.memref_slice %arg11[%add3A_483, %get3A_484] : memref<512x64xf32, #tpu.memory_space<vmem>> -> memref<1x64xf32, #tpu.memory_space<vmem>>
      %get3A_486 = tpu.memref_squeeze %get3A_485 : memref<1x64xf32, #tpu.memory_space<vmem>> -> memref<64xf32, #tpu.memory_space<vmem>>
      %get3A_487 = arith.constant 0 : index
      %get3A_488 = tpu.vector_load %get3A_486[%get3A_487] {strides = array<i32>} : memref<64xf32, #tpu.memory_space<vmem>>, vector<16xf32>,
      %get3A_489 = arith.constant 0 : i32
      %get3A_490 = tpu.memref_slice %arg12[%add3A_483, %get3A_489] : memref<512x64xf32, #tpu.memory_space<vmem>> -> memref<1x64xf32, #tpu.memory_space<vmem>>
      %get3A_491 = tpu.memref_squeeze %get3A_490 : memref<1x64xf32, #tpu.memory_space<vmem>> -> memref<64xf32, #tpu.memory_space<vmem>>
      %get3A_492 = arith.constant 0 : index
      %get3A_493 = tpu.vector_load %get3A_491[%get3A_492] {strides = array<i32>} : memref<64xf32, #tpu.memory_space<vmem>>, vector<16xf32>,
      %mul3A_494 = arith.mulf %get3A_488, %get3A_493 : vector<16xf32>
      %get3A_495 = arith.constant 0 : i32
      %get3A_496 = tpu.memref_slice %arg11[%add3A_483, %get3A_495] : memref<512x64xf32, #tpu.memory_space<vmem>> -> memref<1x64xf32, #tpu.memory_space<vmem>>
      %get3A_497 = tpu.memref_squeeze %get3A_496 : memref<1x64xf32, #tpu.memory_space<vmem>> -> memref<64xf32, #tpu.memory_space<vmem>>
      %get3A_498 = arith.constant 16 : index
      %get3A_499 = tpu.vector_load %get3A_497[%get3A_498] {strides = array<i32>} : memref<64xf32, #tpu.memory_space<vmem>>, vector<16xf32>,
      %get3A_500 = arith.constant 0 : i32
      %get3A_501 = tpu.memref_slice %arg12[%add3A_483, %get3A_500] : memref<512x64xf32, #tpu.memory_space<vmem>> -> memref<1x64xf32, #tpu.memory_space<vmem>>
      %get3A_502 = tpu.memref_squeeze %get3A_501 : memref<1x64xf32, #tpu.memory_space<vmem>> -> memref<64xf32, #tpu.memory_space<vmem>>
      %get3A_503 = arith.constant 16 : index
      %get3A_504 = tpu.vector_load %get3A_502[%get3A_503] {strides = array<i32>} : memref<64xf32, #tpu.memory_space<vmem>>, vector<16xf32>,
      %mul3A_505 = arith.mulf %get3A_499, %get3A_504 : vector<16xf32>
      %add3A_506 = arith.addf %mul3A_494, %mul3A_505 : vector<16xf32>
      %get3A_507 = arith.constant 0 : i32
      %get3A_508 = tpu.memref_slice %arg11[%add3A_483, %get3A_507] : memref<512x64xf32, #tpu.memory_space<vmem>> -> memref<1x64xf32, #tpu.memory_space<vmem>>
      %get3A_509 = tpu.memref_squeeze %get3A_508 : memref<1x64xf32, #tpu.memory_space<vmem>> -> memref<64xf32, #tpu.memory_space<vmem>>
      %get3A_510 = arith.constant 32 : index
      %get3A_511 = tpu.vector_load %get3A_509[%get3A_510] {strides = array<i32>} : memref<64xf32, #tpu.memory_space<vmem>>, vector<16xf32>,
      %get3A_512 = arith.constant 0 : i32
      %get3A_513 = tpu.memref_slice %arg12[%add3A_483, %get3A_512] : memref<512x64xf32, #tpu.memory_space<vmem>> -> memref<1x64xf32, #tpu.memory_space<vmem>>
      %get3A_514 = tpu.memref_squeeze %get3A_513 : memref<1x64xf32, #tpu.memory_space<vmem>> -> memref<64xf32, #tpu.memory_space<vmem>>
      %get3A_515 = arith.constant 32 : index
      %get3A_516 = tpu.vector_load %get3A_514[%get3A_515] {strides = array<i32>} : memref<64xf32, #tpu.memory_space<vmem>>, vector<16xf32>,
      %mul3A_517 = arith.mulf %get3A_511, %get3A_516 : vector<16xf32>
      %add3A_518 = arith.addf %add3A_506, %mul3A_517 : vector<16xf32>
      %get3A_519 = arith.constant 0 : i32
      %get3A_520 = tpu.memref_slice %arg11[%add3A_483, %get3A_519] : memref<512x64xf32, #tpu.memory_space<vmem>> -> memref<1x64xf32, #tpu.memory_space<vmem>>
      %get3A_521 = tpu.memref_squeeze %get3A_520 : memref<1x64xf32, #tpu.memory_space<vmem>> -> memref<64xf32, #tpu.memory_space<vmem>>
      %get3A_522 = arith.constant 48 : index
      %get3A_523 = tpu.vector_load %get3A_521[%get3A_522] {strides = array<i32>} : memref<64xf32, #tpu.memory_space<vmem>>, vector<16xf32>,
      %get3A_524 = arith.constant 0 : i32
      %get3A_525 = tpu.memref_slice %arg12[%add3A_483, %get3A_524] : memref<512x64xf32, #tpu.memory_space<vmem>> -> memref<1x64xf32, #tpu.memory_space<vmem>>
      %get3A_526 = tpu.memref_squeeze %get3A_525 : memref<1x64xf32, #tpu.memory_space<vmem>> -> memref<64xf32, #tpu.memory_space<vmem>>
      %get3A_527 = arith.constant 48 : index
      %get3A_528 = tpu.vector_load %get3A_526[%get3A_527] {strides = array<i32>} : memref<64xf32, #tpu.memory_space<vmem>>, vector<16xf32>,
      %mul3A_529 = arith.mulf %get3A_523, %get3A_528 : vector<16xf32>
      %add3A_530 = arith.addf %add3A_518, %mul3A_529 : vector<16xf32>
      %eq3A_531 = arith.constant 4 : i32
      %eq3A_532 = vector.broadcast %eq3A_531 : i32 to vector<16xi32>
      %eq3A_533 = arith.cmpi eq, %iota3A, %eq3A_532 : vector<16xi32>
      %reduce_sum3A_534 = arith.constant true
      %reduce_sum3A_535 = vector.broadcast %reduce_sum3A_534 : i1 to vector<16xi1>
      %reduce_sum3A_536 = tpu.scan <sum>, %add3A_530 masked %reduce_sum3A_535 : vector<16xf32>, vector<16xi1> -> vector<16xf32>
      %reduce_sum3A_537 = vector.extract %reduce_sum3A_536[15] : f32 from vector<16xf32>
      %add3A_538 = vector.broadcast %reduce_sum3A_537 : f32 to vector<16xf32>
      %add3A_539 = arith.addf %select_n3A_479, %add3A_538 : vector<16xf32>
      %select_n3A_540 = arith.select %eq3A_533, %add3A_539, %select_n3A_479 : vector<16xi1>, vector<16xf32>
      %mul3A_541 = arith.constant 16 : i32
      %mul3A_542 = arith.muli %scan3A_230, %mul3A_541 : i32
      %add3A_543 = arith.constant 5 : i32
      %add3A_544 = arith.addi %mul3A_542, %add3A_543 : i32
      %get3A_545 = arith.constant 0 : i32
      %get3A_546 = tpu.memref_slice %arg11[%add3A_544, %get3A_545] : memref<512x64xf32, #tpu.memory_space<vmem>> -> memref<1x64xf32, #tpu.memory_space<vmem>>
      %get3A_547 = tpu.memref_squeeze %get3A_546 : memref<1x64xf32, #tpu.memory_space<vmem>> -> memref<64xf32, #tpu.memory_space<vmem>>
      %get3A_548 = arith.constant 0 : index
      %get3A_549 = tpu.vector_load %get3A_547[%get3A_548] {strides = array<i32>} : memref<64xf32, #tpu.memory_space<vmem>>, vector<16xf32>,
      %get3A_550 = arith.constant 0 : i32
      %get3A_551 = tpu.memref_slice %arg12[%add3A_544, %get3A_550] : memref<512x64xf32, #tpu.memory_space<vmem>> -> memref<1x64xf32, #tpu.memory_space<vmem>>
      %get3A_552 = tpu.memref_squeeze %get3A_551 : memref<1x64xf32, #tpu.memory_space<vmem>> -> memref<64xf32, #tpu.memory_space<vmem>>
      %get3A_553 = arith.constant 0 : index
      %get3A_554 = tpu.vector_load %get3A_552[%get3A_553] {strides = array<i32>} : memref<64xf32, #tpu.memory_space<vmem>>, vector<16xf32>,
      %mul3A_555 = arith.mulf %get3A_549, %get3A_554 : vector<16xf32>
      %get3A_556 = arith.constant 0 : i32
      %get3A_557 = tpu.memref_slice %arg11[%add3A_544, %get3A_556] : memref<512x64xf32, #tpu.memory_space<vmem>> -> memref<1x64xf32, #tpu.memory_space<vmem>>
      %get3A_558 = tpu.memref_squeeze %get3A_557 : memref<1x64xf32, #tpu.memory_space<vmem>> -> memref<64xf32, #tpu.memory_space<vmem>>
      %get3A_559 = arith.constant 16 : index
      %get3A_560 = tpu.vector_load %get3A_558[%get3A_559] {strides = array<i32>} : memref<64xf32, #tpu.memory_space<vmem>>, vector<16xf32>,
      %get3A_561 = arith.constant 0 : i32
      %get3A_562 = tpu.memref_slice %arg12[%add3A_544, %get3A_561] : memref<512x64xf32, #tpu.memory_space<vmem>> -> memref<1x64xf32, #tpu.memory_space<vmem>>
      %get3A_563 = tpu.memref_squeeze %get3A_562 : memref<1x64xf32, #tpu.memory_space<vmem>> -> memref<64xf32, #tpu.memory_space<vmem>>
      %get3A_564 = arith.constant 16 : index
      %get3A_565 = tpu.vector_load %get3A_563[%get3A_564] {strides = array<i32>} : memref<64xf32, #tpu.memory_space<vmem>>, vector<16xf32>,
      %mul3A_566 = arith.mulf %get3A_560, %get3A_565 : vector<16xf32>
      %add3A_567 = arith.addf %mul3A_555, %mul3A_566 : vector<16xf32>
      %get3A_568 = arith.constant 0 : i32
      %get3A_569 = tpu.memref_slice %arg11[%add3A_544, %get3A_568] : memref<512x64xf32, #tpu.memory_space<vmem>> -> memref<1x64xf32, #tpu.memory_space<vmem>>
      %get3A_570 = tpu.memref_squeeze %get3A_569 : memref<1x64xf32, #tpu.memory_space<vmem>> -> memref<64xf32, #tpu.memory_space<vmem>>
      %get3A_571 = arith.constant 32 : index
      %get3A_572 = tpu.vector_load %get3A_570[%get3A_571] {strides = array<i32>} : memref<64xf32, #tpu.memory_space<vmem>>, vector<16xf32>,
      %get3A_573 = arith.constant 0 : i32
      %get3A_574 = tpu.memref_slice %arg12[%add3A_544, %get3A_573] : memref<512x64xf32, #tpu.memory_space<vmem>> -> memref<1x64xf32, #tpu.memory_space<vmem>>
      %get3A_575 = tpu.memref_squeeze %get3A_574 : memref<1x64xf32, #tpu.memory_space<vmem>> -> memref<64xf32, #tpu.memory_space<vmem>>
      %get3A_576 = arith.constant 32 : index
      %get3A_577 = tpu.vector_load %get3A_575[%get3A_576] {strides = array<i32>} : memref<64xf32, #tpu.memory_space<vmem>>, vector<16xf32>,
      %mul3A_578 = arith.mulf %get3A_572, %get3A_577 : vector<16xf32>
      %add3A_579 = arith.addf %add3A_567, %mul3A_578 : vector<16xf32>
      %get3A_580 = arith.constant 0 : i32
      %get3A_581 = tpu.memref_slice %arg11[%add3A_544, %get3A_580] : memref<512x64xf32, #tpu.memory_space<vmem>> -> memref<1x64xf32, #tpu.memory_space<vmem>>
      %get3A_582 = tpu.memref_squeeze %get3A_581 : memref<1x64xf32, #tpu.memory_space<vmem>> -> memref<64xf32, #tpu.memory_space<vmem>>
      %get3A_583 = arith.constant 48 : index
      %get3A_584 = tpu.vector_load %get3A_582[%get3A_583] {strides = array<i32>} : memref<64xf32, #tpu.memory_space<vmem>>, vector<16xf32>,
      %get3A_585 = arith.constant 0 : i32
      %get3A_586 = tpu.memref_slice %arg12[%add3A_544, %get3A_585] : memref<512x64xf32, #tpu.memory_space<vmem>> -> memref<1x64xf32, #tpu.memory_space<vmem>>
      %get3A_587 = tpu.memref_squeeze %get3A_586 : memref<1x64xf32, #tpu.memory_space<vmem>> -> memref<64xf32, #tpu.memory_space<vmem>>
      %get3A_588 = arith.constant 48 : index
      %get3A_589 = tpu.vector_load %get3A_587[%get3A_588] {strides = array<i32>} : memref<64xf32, #tpu.memory_space<vmem>>, vector<16xf32>,
      %mul3A_590 = arith.mulf %get3A_584, %get3A_589 : vector<16xf32>
      %add3A_591 = arith.addf %add3A_579, %mul3A_590 : vector<16xf32>
      %eq3A_592 = arith.constant 5 : i32
      %eq3A_593 = vector.broadcast %eq3A_592 : i32 to vector<16xi32>
      %eq3A_594 = arith.cmpi eq, %iota3A, %eq3A_593 : vector<16xi32>
      %reduce_sum3A_595 = arith.constant true
      %reduce_sum3A_596 = vector.broadcast %reduce_sum3A_595 : i1 to vector<16xi1>
      %reduce_sum3A_597 = tpu.scan <sum>, %add3A_591 masked %reduce_sum3A_596 : vector<16xf32>, vector<16xi1> -> vector<16xf32>
      %reduce_sum3A_598 = vector.extract %reduce_sum3A_597[15] : f32 from vector<16xf32>
      %add3A_599 = vector.broadcast %reduce_sum3A_598 : f32 to vector<16xf32>
      %add3A_600 = arith.addf %select_n3A_540, %add3A_599 : vector<16xf32>
      %select_n3A_601 = arith.select %eq3A_594, %add3A_600, %select_n3A_540 : vector<16xi1>, vector<16xf32>
      %mul3A_602 = arith.constant 16 : i32
      %mul3A_603 = arith.muli %scan3A_230, %mul3A_602 : i32
      %add3A_604 = arith.constant 6 : i32
      %add3A_605 = arith.addi %mul3A_603, %add3A_604 : i32
      %get3A_606 = arith.constant 0 : i32
      %get3A_607 = tpu.memref_slice %arg11[%add3A_605, %get3A_606] : memref<512x64xf32, #tpu.memory_space<vmem>> -> memref<1x64xf32, #tpu.memory_space<vmem>>
      %get3A_608 = tpu.memref_squeeze %get3A_607 : memref<1x64xf32, #tpu.memory_space<vmem>> -> memref<64xf32, #tpu.memory_space<vmem>>
      %get3A_609 = arith.constant 0 : index
      %get3A_610 = tpu.vector_load %get3A_608[%get3A_609] {strides = array<i32>} : memref<64xf32, #tpu.memory_space<vmem>>, vector<16xf32>,
      %get3A_611 = arith.constant 0 : i32
      %get3A_612 = tpu.memref_slice %arg12[%add3A_605, %get3A_611] : memref<512x64xf32, #tpu.memory_space<vmem>> -> memref<1x64xf32, #tpu.memory_space<vmem>>
      %get3A_613 = tpu.memref_squeeze %get3A_612 : memref<1x64xf32, #tpu.memory_space<vmem>> -> memref<64xf32, #tpu.memory_space<vmem>>
      %get3A_614 = arith.constant 0 : index
      %get3A_615 = tpu.vector_load %get3A_613[%get3A_614] {strides = array<i32>} : memref<64xf32, #tpu.memory_space<vmem>>, vector<16xf32>,
      %mul3A_616 = arith.mulf %get3A_610, %get3A_615 : vector<16xf32>
      %get3A_617 = arith.constant 0 : i32
      %get3A_618 = tpu.memref_slice %arg11[%add3A_605, %get3A_617] : memref<512x64xf32, #tpu.memory_space<vmem>> -> memref<1x64xf32, #tpu.memory_space<vmem>>
      %get3A_619 = tpu.memref_squeeze %get3A_618 : memref<1x64xf32, #tpu.memory_space<vmem>> -> memref<64xf32, #tpu.memory_space<vmem>>
      %get3A_620 = arith.constant 16 : index
      %get3A_621 = tpu.vector_load %get3A_619[%get3A_620] {strides = array<i32>} : memref<64xf32, #tpu.memory_space<vmem>>, vector<16xf32>,
      %get3A_622 = arith.constant 0 : i32
      %get3A_623 = tpu.memref_slice %arg12[%add3A_605, %get3A_622] : memref<512x64xf32, #tpu.memory_space<vmem>> -> memref<1x64xf32, #tpu.memory_space<vmem>>
      %get3A_624 = tpu.memref_squeeze %get3A_623 : memref<1x64xf32, #tpu.memory_space<vmem>> -> memref<64xf32, #tpu.memory_space<vmem>>
      %get3A_625 = arith.constant 16 : index
      %get3A_626 = tpu.vector_load %get3A_624[%get3A_625] {strides = array<i32>} : memref<64xf32, #tpu.memory_space<vmem>>, vector<16xf32>,
      %mul3A_627 = arith.mulf %get3A_621, %get3A_626 : vector<16xf32>
      %add3A_628 = arith.addf %mul3A_616, %mul3A_627 : vector<16xf32>
      %get3A_629 = arith.constant 0 : i32
      %get3A_630 = tpu.memref_slice %arg11[%add3A_605, %get3A_629] : memref<512x64xf32, #tpu.memory_space<vmem>> -> memref<1x64xf32, #tpu.memory_space<vmem>>
      %get3A_631 = tpu.memref_squeeze %get3A_630 : memref<1x64xf32, #tpu.memory_space<vmem>> -> memref<64xf32, #tpu.memory_space<vmem>>
      %get3A_632 = arith.constant 32 : index
      %get3A_633 = tpu.vector_load %get3A_631[%get3A_632] {strides = array<i32>} : memref<64xf32, #tpu.memory_space<vmem>>, vector<16xf32>,
      %get3A_634 = arith.constant 0 : i32
      %get3A_635 = tpu.memref_slice %arg12[%add3A_605, %get3A_634] : memref<512x64xf32, #tpu.memory_space<vmem>> -> memref<1x64xf32, #tpu.memory_space<vmem>>
      %get3A_636 = tpu.memref_squeeze %get3A_635 : memref<1x64xf32, #tpu.memory_space<vmem>> -> memref<64xf32, #tpu.memory_space<vmem>>
      %get3A_637 = arith.constant 32 : index
      %get3A_638 = tpu.vector_load %get3A_636[%get3A_637] {strides = array<i32>} : memref<64xf32, #tpu.memory_space<vmem>>, vector<16xf32>,
      %mul3A_639 = arith.mulf %get3A_633, %get3A_638 : vector<16xf32>
      %add3A_640 = arith.addf %add3A_628, %mul3A_639 : vector<16xf32>
      %get3A_641 = arith.constant 0 : i32
      %get3A_642 = tpu.memref_slice %arg11[%add3A_605, %get3A_641] : memref<512x64xf32, #tpu.memory_space<vmem>> -> memref<1x64xf32, #tpu.memory_space<vmem>>
      %get3A_643 = tpu.memref_squeeze %get3A_642 : memref<1x64xf32, #tpu.memory_space<vmem>> -> memref<64xf32, #tpu.memory_space<vmem>>
      %get3A_644 = arith.constant 48 : index
      %get3A_645 = tpu.vector_load %get3A_643[%get3A_644] {strides = array<i32>} : memref<64xf32, #tpu.memory_space<vmem>>, vector<16xf32>,
      %get3A_646 = arith.constant 0 : i32
      %get3A_647 = tpu.memref_slice %arg12[%add3A_605, %get3A_646] : memref<512x64xf32, #tpu.memory_space<vmem>> -> memref<1x64xf32, #tpu.memory_space<vmem>>
      %get3A_648 = tpu.memref_squeeze %get3A_647 : memref<1x64xf32, #tpu.memory_space<vmem>> -> memref<64xf32, #tpu.memory_space<vmem>>
      %get3A_649 = arith.constant 48 : index
      %get3A_650 = tpu.vector_load %get3A_648[%get3A_649] {strides = array<i32>} : memref<64xf32, #tpu.memory_space<vmem>>, vector<16xf32>,
      %mul3A_651 = arith.mulf %get3A_645, %get3A_650 : vector<16xf32>
      %add3A_652 = arith.addf %add3A_640, %mul3A_651 : vector<16xf32>
      %eq3A_653 = arith.constant 6 : i32
      %eq3A_654 = vector.broadcast %eq3A_653 : i32 to vector<16xi32>
      %eq3A_655 = arith.cmpi eq, %iota3A, %eq3A_654 : vector<16xi32>
      %reduce_sum3A_656 = arith.constant true
      %reduce_sum3A_657 = vector.broadcast %reduce_sum3A_656 : i1 to vector<16xi1>
      %reduce_sum3A_658 = tpu.scan <sum>, %add3A_652 masked %reduce_sum3A_657 : vector<16xf32>, vector<16xi1> -> vector<16xf32>
      %reduce_sum3A_659 = vector.extract %reduce_sum3A_658[15] : f32 from vector<16xf32>
      %add3A_660 = vector.broadcast %reduce_sum3A_659 : f32 to vector<16xf32>
      %add3A_661 = arith.addf %select_n3A_601, %add3A_660 : vector<16xf32>
      %select_n3A_662 = arith.select %eq3A_655, %add3A_661, %select_n3A_601 : vector<16xi1>, vector<16xf32>
      %mul3A_663 = arith.constant 16 : i32
      %mul3A_664 = arith.muli %scan3A_230, %mul3A_663 : i32
      %add3A_665 = arith.constant 7 : i32
      %add3A_666 = arith.addi %mul3A_664, %add3A_665 : i32
      %get3A_667 = arith.constant 0 : i32
      %get3A_668 = tpu.memref_slice %arg11[%add3A_666, %get3A_667] : memref<512x64xf32, #tpu.memory_space<vmem>> -> memref<1x64xf32, #tpu.memory_space<vmem>>
      %get3A_669 = tpu.memref_squeeze %get3A_668 : memref<1x64xf32, #tpu.memory_space<vmem>> -> memref<64xf32, #tpu.memory_space<vmem>>
      %get3A_670 = arith.constant 0 : index
      %get3A_671 = tpu.vector_load %get3A_669[%get3A_670] {strides = array<i32>} : memref<64xf32, #tpu.memory_space<vmem>>, vector<16xf32>,
      %get3A_672 = arith.constant 0 : i32
      %get3A_673 = tpu.memref_slice %arg12[%add3A_666, %get3A_672] : memref<512x64xf32, #tpu.memory_space<vmem>> -> memref<1x64xf32, #tpu.memory_space<vmem>>
      %get3A_674 = tpu.memref_squeeze %get3A_673 : memref<1x64xf32, #tpu.memory_space<vmem>> -> memref<64xf32, #tpu.memory_space<vmem>>
      %get3A_675 = arith.constant 0 : index
      %get3A_676 = tpu.vector_load %get3A_674[%get3A_675] {strides = array<i32>} : memref<64xf32, #tpu.memory_space<vmem>>, vector<16xf32>,
      %mul3A_677 = arith.mulf %get3A_671, %get3A_676 : vector<16xf32>
      %get3A_678 = arith.constant 0 : i32
      %get3A_679 = tpu.memref_slice %arg11[%add3A_666, %get3A_678] : memref<512x64xf32, #tpu.memory_space<vmem>> -> memref<1x64xf32, #tpu.memory_space<vmem>>
      %get3A_680 = tpu.memref_squeeze %get3A_679 : memref<1x64xf32, #tpu.memory_space<vmem>> -> memref<64xf32, #tpu.memory_space<vmem>>
      %get3A_681 = arith.constant 16 : index
      %get3A_682 = tpu.vector_load %get3A_680[%get3A_681] {strides = array<i32>} : memref<64xf32, #tpu.memory_space<vmem>>, vector<16xf32>,
      %get3A_683 = arith.constant 0 : i32
      %get3A_684 = tpu.memref_slice %arg12[%add3A_666, %get3A_683] : memref<512x64xf32, #tpu.memory_space<vmem>> -> memref<1x64xf32, #tpu.memory_space<vmem>>
      %get3A_685 = tpu.memref_squeeze %get3A_684 : memref<1x64xf32, #tpu.memory_space<vmem>> -> memref<64xf32, #tpu.memory_space<vmem>>
      %get3A_686 = arith.constant 16 : index
      %get3A_687 = tpu.vector_load %get3A_685[%get3A_686] {strides = array<i32>} : memref<64xf32, #tpu.memory_space<vmem>>, vector<16xf32>,
      %mul3A_688 = arith.mulf %get3A_682, %get3A_687 : vector<16xf32>
      %add3A_689 = arith.addf %mul3A_677, %mul3A_688 : vector<16xf32>
      %get3A_690 = arith.constant 0 : i32
      %get3A_691 = tpu.memref_slice %arg11[%add3A_666, %get3A_690] : memref<512x64xf32, #tpu.memory_space<vmem>> -> memref<1x64xf32, #tpu.memory_space<vmem>>
      %get3A_692 = tpu.memref_squeeze %get3A_691 : memref<1x64xf32, #tpu.memory_space<vmem>> -> memref<64xf32, #tpu.memory_space<vmem>>
      %get3A_693 = arith.constant 32 : index
      %get3A_694 = tpu.vector_load %get3A_692[%get3A_693] {strides = array<i32>} : memref<64xf32, #tpu.memory_space<vmem>>, vector<16xf32>,
      %get3A_695 = arith.constant 0 : i32
      %get3A_696 = tpu.memref_slice %arg12[%add3A_666, %get3A_695] : memref<512x64xf32, #tpu.memory_space<vmem>> -> memref<1x64xf32, #tpu.memory_space<vmem>>
      %get3A_697 = tpu.memref_squeeze %get3A_696 : memref<1x64xf32, #tpu.memory_space<vmem>> -> memref<64xf32, #tpu.memory_space<vmem>>
      %get3A_698 = arith.constant 32 : index
      %get3A_699 = tpu.vector_load %get3A_697[%get3A_698] {strides = array<i32>} : memref<64xf32, #tpu.memory_space<vmem>>, vector<16xf32>,
      %mul3A_700 = arith.mulf %get3A_694, %get3A_699 : vector<16xf32>
      %add3A_701 = arith.addf %add3A_689, %mul3A_700 : vector<16xf32>
      %get3A_702 = arith.constant 0 : i32
      %get3A_703 = tpu.memref_slice %arg11[%add3A_666, %get3A_702] : memref<512x64xf32, #tpu.memory_space<vmem>> -> memref<1x64xf32, #tpu.memory_space<vmem>>
      %get3A_704 = tpu.memref_squeeze %get3A_703 : memref<1x64xf32, #tpu.memory_space<vmem>> -> memref<64xf32, #tpu.memory_space<vmem>>
      %get3A_705 = arith.constant 48 : index
      %get3A_706 = tpu.vector_load %get3A_704[%get3A_705] {strides = array<i32>} : memref<64xf32, #tpu.memory_space<vmem>>, vector<16xf32>,
      %get3A_707 = arith.constant 0 : i32
      %get3A_708 = tpu.memref_slice %arg12[%add3A_666, %get3A_707] : memref<512x64xf32, #tpu.memory_space<vmem>> -> memref<1x64xf32, #tpu.memory_space<vmem>>
      %get3A_709 = tpu.memref_squeeze %get3A_708 : memref<1x64xf32, #tpu.memory_space<vmem>> -> memref<64xf32, #tpu.memory_space<vmem>>
      %get3A_710 = arith.constant 48 : index
      %get3A_711 = tpu.vector_load %get3A_709[%get3A_710] {strides = array<i32>} : memref<64xf32, #tpu.memory_space<vmem>>, vector<16xf32>,
      %mul3A_712 = arith.mulf %get3A_706, %get3A_711 : vector<16xf32>
      %add3A_713 = arith.addf %add3A_701, %mul3A_712 : vector<16xf32>
      %eq3A_714 = arith.constant 7 : i32
      %eq3A_715 = vector.broadcast %eq3A_714 : i32 to vector<16xi32>
      %eq3A_716 = arith.cmpi eq, %iota3A, %eq3A_715 : vector<16xi32>
      %reduce_sum3A_717 = arith.constant true
      %reduce_sum3A_718 = vector.broadcast %reduce_sum3A_717 : i1 to vector<16xi1>
      %reduce_sum3A_719 = tpu.scan <sum>, %add3A_713 masked %reduce_sum3A_718 : vector<16xf32>, vector<16xi1> -> vector<16xf32>
      %reduce_sum3A_720 = vector.extract %reduce_sum3A_719[15] : f32 from vector<16xf32>
      %add3A_721 = vector.broadcast %reduce_sum3A_720 : f32 to vector<16xf32>
      %add3A_722 = arith.addf %select_n3A_662, %add3A_721 : vector<16xf32>
      %select_n3A_723 = arith.select %eq3A_716, %add3A_722, %select_n3A_662 : vector<16xi1>, vector<16xf32>
      %mul3A_724 = arith.constant 16 : i32
      %mul3A_725 = arith.muli %scan3A_230, %mul3A_724 : i32
      %add3A_726 = arith.constant 8 : i32
      %add3A_727 = arith.addi %mul3A_725, %add3A_726 : i32
      %get3A_728 = arith.constant 0 : i32
      %get3A_729 = tpu.memref_slice %arg11[%add3A_727, %get3A_728] : memref<512x64xf32, #tpu.memory_space<vmem>> -> memref<1x64xf32, #tpu.memory_space<vmem>>
      %get3A_730 = tpu.memref_squeeze %get3A_729 : memref<1x64xf32, #tpu.memory_space<vmem>> -> memref<64xf32, #tpu.memory_space<vmem>>
      %get3A_731 = arith.constant 0 : index
      %get3A_732 = tpu.vector_load %get3A_730[%get3A_731] {strides = array<i32>} : memref<64xf32, #tpu.memory_space<vmem>>, vector<16xf32>,
      %get3A_733 = arith.constant 0 : i32
      %get3A_734 = tpu.memref_slice %arg12[%add3A_727, %get3A_733] : memref<512x64xf32, #tpu.memory_space<vmem>> -> memref<1x64xf32, #tpu.memory_space<vmem>>
      %get3A_735 = tpu.memref_squeeze %get3A_734 : memref<1x64xf32, #tpu.memory_space<vmem>> -> memref<64xf32, #tpu.memory_space<vmem>>
      %get3A_736 = arith.constant 0 : index
      %get3A_737 = tpu.vector_load %get3A_735[%get3A_736] {strides = array<i32>} : memref<64xf32, #tpu.memory_space<vmem>>, vector<16xf32>,
      %mul3A_738 = arith.mulf %get3A_732, %get3A_737 : vector<16xf32>
      %get3A_739 = arith.constant 0 : i32
      %get3A_740 = tpu.memref_slice %arg11[%add3A_727, %get3A_739] : memref<512x64xf32, #tpu.memory_space<vmem>> -> memref<1x64xf32, #tpu.memory_space<vmem>>
      %get3A_741 = tpu.memref_squeeze %get3A_740 : memref<1x64xf32, #tpu.memory_space<vmem>> -> memref<64xf32, #tpu.memory_space<vmem>>
      %get3A_742 = arith.constant 16 : index
      %get3A_743 = tpu.vector_load %get3A_741[%get3A_742] {strides = array<i32>} : memref<64xf32, #tpu.memory_space<vmem>>, vector<16xf32>,
      %get3A_744 = arith.constant 0 : i32
      %get3A_745 = tpu.memref_slice %arg12[%add3A_727, %get3A_744] : memref<512x64xf32, #tpu.memory_space<vmem>> -> memref<1x64xf32, #tpu.memory_space<vmem>>
      %get3A_746 = tpu.memref_squeeze %get3A_745 : memref<1x64xf32, #tpu.memory_space<vmem>> -> memref<64xf32, #tpu.memory_space<vmem>>
      %get3A_747 = arith.constant 16 : index
      %get3A_748 = tpu.vector_load %get3A_746[%get3A_747] {strides = array<i32>} : memref<64xf32, #tpu.memory_space<vmem>>, vector<16xf32>,
      %mul3A_749 = arith.mulf %get3A_743, %get3A_748 : vector<16xf32>
      %add3A_750 = arith.addf %mul3A_738, %mul3A_749 : vector<16xf32>
      %get3A_751 = arith.constant 0 : i32
      %get3A_752 = tpu.memref_slice %arg11[%add3A_727, %get3A_751] : memref<512x64xf32, #tpu.memory_space<vmem>> -> memref<1x64xf32, #tpu.memory_space<vmem>>
      %get3A_753 = tpu.memref_squeeze %get3A_752 : memref<1x64xf32, #tpu.memory_space<vmem>> -> memref<64xf32, #tpu.memory_space<vmem>>
      %get3A_754 = arith.constant 32 : index
      %get3A_755 = tpu.vector_load %get3A_753[%get3A_754] {strides = array<i32>} : memref<64xf32, #tpu.memory_space<vmem>>, vector<16xf32>,
      %get3A_756 = arith.constant 0 : i32
      %get3A_757 = tpu.memref_slice %arg12[%add3A_727, %get3A_756] : memref<512x64xf32, #tpu.memory_space<vmem>> -> memref<1x64xf32, #tpu.memory_space<vmem>>
      %get3A_758 = tpu.memref_squeeze %get3A_757 : memref<1x64xf32, #tpu.memory_space<vmem>> -> memref<64xf32, #tpu.memory_space<vmem>>
      %get3A_759 = arith.constant 32 : index
      %get3A_760 = tpu.vector_load %get3A_758[%get3A_759] {strides = array<i32>} : memref<64xf32, #tpu.memory_space<vmem>>, vector<16xf32>,
      %mul3A_761 = arith.mulf %get3A_755, %get3A_760 : vector<16xf32>
      %add3A_762 = arith.addf %add3A_750, %mul3A_761 : vector<16xf32>
      %get3A_763 = arith.constant 0 : i32
      %get3A_764 = tpu.memref_slice %arg11[%add3A_727, %get3A_763] : memref<512x64xf32, #tpu.memory_space<vmem>> -> memref<1x64xf32, #tpu.memory_space<vmem>>
      %get3A_765 = tpu.memref_squeeze %get3A_764 : memref<1x64xf32, #tpu.memory_space<vmem>> -> memref<64xf32, #tpu.memory_space<vmem>>
      %get3A_766 = arith.constant 48 : index
      %get3A_767 = tpu.vector_load %get3A_765[%get3A_766] {strides = array<i32>} : memref<64xf32, #tpu.memory_space<vmem>>, vector<16xf32>,
      %get3A_768 = arith.constant 0 : i32
      %get3A_769 = tpu.memref_slice %arg12[%add3A_727, %get3A_768] : memref<512x64xf32, #tpu.memory_space<vmem>> -> memref<1x64xf32, #tpu.memory_space<vmem>>
      %get3A_770 = tpu.memref_squeeze %get3A_769 : memref<1x64xf32, #tpu.memory_space<vmem>> -> memref<64xf32, #tpu.memory_space<vmem>>
      %get3A_771 = arith.constant 48 : index
      %get3A_772 = tpu.vector_load %get3A_770[%get3A_771] {strides = array<i32>} : memref<64xf32, #tpu.memory_space<vmem>>, vector<16xf32>,
      %mul3A_773 = arith.mulf %get3A_767, %get3A_772 : vector<16xf32>
      %add3A_774 = arith.addf %add3A_762, %mul3A_773 : vector<16xf32>
      %eq3A_775 = arith.constant 8 : i32
      %eq3A_776 = vector.broadcast %eq3A_775 : i32 to vector<16xi32>
      %eq3A_777 = arith.cmpi eq, %iota3A, %eq3A_776 : vector<16xi32>
      %reduce_sum3A_778 = arith.constant true
      %reduce_sum3A_779 = vector.broadcast %reduce_sum3A_778 : i1 to vector<16xi1>
      %reduce_sum3A_780 = tpu.scan <sum>, %add3A_774 masked %reduce_sum3A_779 : vector<16xf32>, vector<16xi1> -> vector<16xf32>
      %reduce_sum3A_781 = vector.extract %reduce_sum3A_780[15] : f32 from vector<16xf32>
      %add3A_782 = vector.broadcast %reduce_sum3A_781 : f32 to vector<16xf32>
      %add3A_783 = arith.addf %select_n3A_723, %add3A_782 : vector<16xf32>
      %select_n3A_784 = arith.select %eq3A_777, %add3A_783, %select_n3A_723 : vector<16xi1>, vector<16xf32>
      %mul3A_785 = arith.constant 16 : i32
      %mul3A_786 = arith.muli %scan3A_230, %mul3A_785 : i32
      %add3A_787 = arith.constant 9 : i32
      %add3A_788 = arith.addi %mul3A_786, %add3A_787 : i32
      %get3A_789 = arith.constant 0 : i32
      %get3A_790 = tpu.memref_slice %arg11[%add3A_788, %get3A_789] : memref<512x64xf32, #tpu.memory_space<vmem>> -> memref<1x64xf32, #tpu.memory_space<vmem>>
      %get3A_791 = tpu.memref_squeeze %get3A_790 : memref<1x64xf32, #tpu.memory_space<vmem>> -> memref<64xf32, #tpu.memory_space<vmem>>
      %get3A_792 = arith.constant 0 : index
      %get3A_793 = tpu.vector_load %get3A_791[%get3A_792] {strides = array<i32>} : memref<64xf32, #tpu.memory_space<vmem>>, vector<16xf32>,
      %get3A_794 = arith.constant 0 : i32
      %get3A_795 = tpu.memref_slice %arg12[%add3A_788, %get3A_794] : memref<512x64xf32, #tpu.memory_space<vmem>> -> memref<1x64xf32, #tpu.memory_space<vmem>>
      %get3A_796 = tpu.memref_squeeze %get3A_795 : memref<1x64xf32, #tpu.memory_space<vmem>> -> memref<64xf32, #tpu.memory_space<vmem>>
      %get3A_797 = arith.constant 0 : index
      %get3A_798 = tpu.vector_load %get3A_796[%get3A_797] {strides = array<i32>} : memref<64xf32, #tpu.memory_space<vmem>>, vector<16xf32>,
      %mul3A_799 = arith.mulf %get3A_793, %get3A_798 : vector<16xf32>
      %get3A_800 = arith.constant 0 : i32
      %get3A_801 = tpu.memref_slice %arg11[%add3A_788, %get3A_800] : memref<512x64xf32, #tpu.memory_space<vmem>> -> memref<1x64xf32, #tpu.memory_space<vmem>>
      %get3A_802 = tpu.memref_squeeze %get3A_801 : memref<1x64xf32, #tpu.memory_space<vmem>> -> memref<64xf32, #tpu.memory_space<vmem>>
      %get3A_803 = arith.constant 16 : index
      %get3A_804 = tpu.vector_load %get3A_802[%get3A_803] {strides = array<i32>} : memref<64xf32, #tpu.memory_space<vmem>>, vector<16xf32>,
      %get3A_805 = arith.constant 0 : i32
      %get3A_806 = tpu.memref_slice %arg12[%add3A_788, %get3A_805] : memref<512x64xf32, #tpu.memory_space<vmem>> -> memref<1x64xf32, #tpu.memory_space<vmem>>
      %get3A_807 = tpu.memref_squeeze %get3A_806 : memref<1x64xf32, #tpu.memory_space<vmem>> -> memref<64xf32, #tpu.memory_space<vmem>>
      %get3A_808 = arith.constant 16 : index
      %get3A_809 = tpu.vector_load %get3A_807[%get3A_808] {strides = array<i32>} : memref<64xf32, #tpu.memory_space<vmem>>, vector<16xf32>,
      %mul3A_810 = arith.mulf %get3A_804, %get3A_809 : vector<16xf32>
      %add3A_811 = arith.addf %mul3A_799, %mul3A_810 : vector<16xf32>
      %get3A_812 = arith.constant 0 : i32
      %get3A_813 = tpu.memref_slice %arg11[%add3A_788, %get3A_812] : memref<512x64xf32, #tpu.memory_space<vmem>> -> memref<1x64xf32, #tpu.memory_space<vmem>>
      %get3A_814 = tpu.memref_squeeze %get3A_813 : memref<1x64xf32, #tpu.memory_space<vmem>> -> memref<64xf32, #tpu.memory_space<vmem>>
      %get3A_815 = arith.constant 32 : index
      %get3A_816 = tpu.vector_load %get3A_814[%get3A_815] {strides = array<i32>} : memref<64xf32, #tpu.memory_space<vmem>>, vector<16xf32>,
      %get3A_817 = arith.constant 0 : i32
      %get3A_818 = tpu.memref_slice %arg12[%add3A_788, %get3A_817] : memref<512x64xf32, #tpu.memory_space<vmem>> -> memref<1x64xf32, #tpu.memory_space<vmem>>
      %get3A_819 = tpu.memref_squeeze %get3A_818 : memref<1x64xf32, #tpu.memory_space<vmem>> -> memref<64xf32, #tpu.memory_space<vmem>>
      %get3A_820 = arith.constant 32 : index
      %get3A_821 = tpu.vector_load %get3A_819[%get3A_820] {strides = array<i32>} : memref<64xf32, #tpu.memory_space<vmem>>, vector<16xf32>,
      %mul3A_822 = arith.mulf %get3A_816, %get3A_821 : vector<16xf32>
      %add3A_823 = arith.addf %add3A_811, %mul3A_822 : vector<16xf32>
      %get3A_824 = arith.constant 0 : i32
      %get3A_825 = tpu.memref_slice %arg11[%add3A_788, %get3A_824] : memref<512x64xf32, #tpu.memory_space<vmem>> -> memref<1x64xf32, #tpu.memory_space<vmem>>
      %get3A_826 = tpu.memref_squeeze %get3A_825 : memref<1x64xf32, #tpu.memory_space<vmem>> -> memref<64xf32, #tpu.memory_space<vmem>>
      %get3A_827 = arith.constant 48 : index
      %get3A_828 = tpu.vector_load %get3A_826[%get3A_827] {strides = array<i32>} : memref<64xf32, #tpu.memory_space<vmem>>, vector<16xf32>,
      %get3A_829 = arith.constant 0 : i32
      %get3A_830 = tpu.memref_slice %arg12[%add3A_788, %get3A_829] : memref<512x64xf32, #tpu.memory_space<vmem>> -> memref<1x64xf32, #tpu.memory_space<vmem>>
      %get3A_831 = tpu.memref_squeeze %get3A_830 : memref<1x64xf32, #tpu.memory_space<vmem>> -> memref<64xf32, #tpu.memory_space<vmem>>
      %get3A_832 = arith.constant 48 : index
      %get3A_833 = tpu.vector_load %get3A_831[%get3A_832] {strides = array<i32>} : memref<64xf32, #tpu.memory_space<vmem>>, vector<16xf32>,
      %mul3A_834 = arith.mulf %get3A_828, %get3A_833 : vector<16xf32>
      %add3A_835 = arith.addf %add3A_823, %mul3A_834 : vector<16xf32>
      %eq3A_836 = arith.constant 9 : i32
      %eq3A_837 = vector.broadcast %eq3A_836 : i32 to vector<16xi32>
      %eq3A_838 = arith.cmpi eq, %iota3A, %eq3A_837 : vector<16xi32>
      %reduce_sum3A_839 = arith.constant true
      %reduce_sum3A_840 = vector.broadcast %reduce_sum3A_839 : i1 to vector<16xi1>
      %reduce_sum3A_841 = tpu.scan <sum>, %add3A_835 masked %reduce_sum3A_840 : vector<16xf32>, vector<16xi1> -> vector<16xf32>
      %reduce_sum3A_842 = vector.extract %reduce_sum3A_841[15] : f32 from vector<16xf32>
      %add3A_843 = vector.broadcast %reduce_sum3A_842 : f32 to vector<16xf32>
      %add3A_844 = arith.addf %select_n3A_784, %add3A_843 : vector<16xf32>
      %select_n3A_845 = arith.select %eq3A_838, %add3A_844, %select_n3A_784 : vector<16xi1>, vector<16xf32>
      %mul3A_846 = arith.constant 16 : i32
      %mul3A_847 = arith.muli %scan3A_230, %mul3A_846 : i32
      %add3A_848 = arith.constant 10 : i32
      %add3A_849 = arith.addi %mul3A_847, %add3A_848 : i32
      %get3A_850 = arith.constant 0 : i32
      %get3A_851 = tpu.memref_slice %arg11[%add3A_849, %get3A_850] : memref<512x64xf32, #tpu.memory_space<vmem>> -> memref<1x64xf32, #tpu.memory_space<vmem>>
      %get3A_852 = tpu.memref_squeeze %get3A_851 : memref<1x64xf32, #tpu.memory_space<vmem>> -> memref<64xf32, #tpu.memory_space<vmem>>
      %get3A_853 = arith.constant 0 : index
      %get3A_854 = tpu.vector_load %get3A_852[%get3A_853] {strides = array<i32>} : memref<64xf32, #tpu.memory_space<vmem>>, vector<16xf32>,
      %get3A_855 = arith.constant 0 : i32
      %get3A_856 = tpu.memref_slice %arg12[%add3A_849, %get3A_855] : memref<512x64xf32, #tpu.memory_space<vmem>> -> memref<1x64xf32, #tpu.memory_space<vmem>>
      %get3A_857 = tpu.memref_squeeze %get3A_856 : memref<1x64xf32, #tpu.memory_space<vmem>> -> memref<64xf32, #tpu.memory_space<vmem>>
      %get3A_858 = arith.constant 0 : index
      %get3A_859 = tpu.vector_load %get3A_857[%get3A_858] {strides = array<i32>} : memref<64xf32, #tpu.memory_space<vmem>>, vector<16xf32>,
      %mul3A_860 = arith.mulf %get3A_854, %get3A_859 : vector<16xf32>
      %get3A_861 = arith.constant 0 : i32
      %get3A_862 = tpu.memref_slice %arg11[%add3A_849, %get3A_861] : memref<512x64xf32, #tpu.memory_space<vmem>> -> memref<1x64xf32, #tpu.memory_space<vmem>>
      %get3A_863 = tpu.memref_squeeze %get3A_862 : memref<1x64xf32, #tpu.memory_space<vmem>> -> memref<64xf32, #tpu.memory_space<vmem>>
      %get3A_864 = arith.constant 16 : index
      %get3A_865 = tpu.vector_load %get3A_863[%get3A_864] {strides = array<i32>} : memref<64xf32, #tpu.memory_space<vmem>>, vector<16xf32>,
      %get3A_866 = arith.constant 0 : i32
      %get3A_867 = tpu.memref_slice %arg12[%add3A_849, %get3A_866] : memref<512x64xf32, #tpu.memory_space<vmem>> -> memref<1x64xf32, #tpu.memory_space<vmem>>
      %get3A_868 = tpu.memref_squeeze %get3A_867 : memref<1x64xf32, #tpu.memory_space<vmem>> -> memref<64xf32, #tpu.memory_space<vmem>>
      %get3A_869 = arith.constant 16 : index
      %get3A_870 = tpu.vector_load %get3A_868[%get3A_869] {strides = array<i32>} : memref<64xf32, #tpu.memory_space<vmem>>, vector<16xf32>,
      %mul3A_871 = arith.mulf %get3A_865, %get3A_870 : vector<16xf32>
      %add3A_872 = arith.addf %mul3A_860, %mul3A_871 : vector<16xf32>
      %get3A_873 = arith.constant 0 : i32
      %get3A_874 = tpu.memref_slice %arg11[%add3A_849, %get3A_873] : memref<512x64xf32, #tpu.memory_space<vmem>> -> memref<1x64xf32, #tpu.memory_space<vmem>>
      %get3A_875 = tpu.memref_squeeze %get3A_874 : memref<1x64xf32, #tpu.memory_space<vmem>> -> memref<64xf32, #tpu.memory_space<vmem>>
      %get3A_876 = arith.constant 32 : index
      %get3A_877 = tpu.vector_load %get3A_875[%get3A_876] {strides = array<i32>} : memref<64xf32, #tpu.memory_space<vmem>>, vector<16xf32>,
      %get3A_878 = arith.constant 0 : i32
      %get3A_879 = tpu.memref_slice %arg12[%add3A_849, %get3A_878] : memref<512x64xf32, #tpu.memory_space<vmem>> -> memref<1x64xf32, #tpu.memory_space<vmem>>
      %get3A_880 = tpu.memref_squeeze %get3A_879 : memref<1x64xf32, #tpu.memory_space<vmem>> -> memref<64xf32, #tpu.memory_space<vmem>>
      %get3A_881 = arith.constant 32 : index
      %get3A_882 = tpu.vector_load %get3A_880[%get3A_881] {strides = array<i32>} : memref<64xf32, #tpu.memory_space<vmem>>, vector<16xf32>,
      %mul3A_883 = arith.mulf %get3A_877, %get3A_882 : vector<16xf32>
      %add3A_884 = arith.addf %add3A_872, %mul3A_883 : vector<16xf32>
      %get3A_885 = arith.constant 0 : i32
      %get3A_886 = tpu.memref_slice %arg11[%add3A_849, %get3A_885] : memref<512x64xf32, #tpu.memory_space<vmem>> -> memref<1x64xf32, #tpu.memory_space<vmem>>
      %get3A_887 = tpu.memref_squeeze %get3A_886 : memref<1x64xf32, #tpu.memory_space<vmem>> -> memref<64xf32, #tpu.memory_space<vmem>>
      %get3A_888 = arith.constant 48 : index
      %get3A_889 = tpu.vector_load %get3A_887[%get3A_888] {strides = array<i32>} : memref<64xf32, #tpu.memory_space<vmem>>, vector<16xf32>,
      %get3A_890 = arith.constant 0 : i32
      %get3A_891 = tpu.memref_slice %arg12[%add3A_849, %get3A_890] : memref<512x64xf32, #tpu.memory_space<vmem>> -> memref<1x64xf32, #tpu.memory_space<vmem>>
      %get3A_892 = tpu.memref_squeeze %get3A_891 : memref<1x64xf32, #tpu.memory_space<vmem>> -> memref<64xf32, #tpu.memory_space<vmem>>
      %get3A_893 = arith.constant 48 : index
      %get3A_894 = tpu.vector_load %get3A_892[%get3A_893] {strides = array<i32>} : memref<64xf32, #tpu.memory_space<vmem>>, vector<16xf32>,
      %mul3A_895 = arith.mulf %get3A_889, %get3A_894 : vector<16xf32>
      %add3A_896 = arith.addf %add3A_884, %mul3A_895 : vector<16xf32>
      %eq3A_897 = arith.constant 10 : i32
      %eq3A_898 = vector.broadcast %eq3A_897 : i32 to vector<16xi32>
      %eq3A_899 = arith.cmpi eq, %iota3A, %eq3A_898 : vector<16xi32>
      %reduce_sum3A_900 = arith.constant true
      %reduce_sum3A_901 = vector.broadcast %reduce_sum3A_900 : i1 to vector<16xi1>
      %reduce_sum3A_902 = tpu.scan <sum>, %add3A_896 masked %reduce_sum3A_901 : vector<16xf32>, vector<16xi1> -> vector<16xf32>
      %reduce_sum3A_903 = vector.extract %reduce_sum3A_902[15] : f32 from vector<16xf32>
      %add3A_904 = vector.broadcast %reduce_sum3A_903 : f32 to vector<16xf32>
      %add3A_905 = arith.addf %select_n3A_845, %add3A_904 : vector<16xf32>
      %select_n3A_906 = arith.select %eq3A_899, %add3A_905, %select_n3A_845 : vector<16xi1>, vector<16xf32>
      %mul3A_907 = arith.constant 16 : i32
      %mul3A_908 = arith.muli %scan3A_230, %mul3A_907 : i32
      %add3A_909 = arith.constant 11 : i32
      %add3A_910 = arith.addi %mul3A_908, %add3A_909 : i32
      %get3A_911 = arith.constant 0 : i32
      %get3A_912 = tpu.memref_slice %arg11[%add3A_910, %get3A_911] : memref<512x64xf32, #tpu.memory_space<vmem>> -> memref<1x64xf32, #tpu.memory_space<vmem>>
      %get3A_913 = tpu.memref_squeeze %get3A_912 : memref<1x64xf32, #tpu.memory_space<vmem>> -> memref<64xf32, #tpu.memory_space<vmem>>
      %get3A_914 = arith.constant 0 : index
      %get3A_915 = tpu.vector_load %get3A_913[%get3A_914] {strides = array<i32>} : memref<64xf32, #tpu.memory_space<vmem>>, vector<16xf32>,
      %get3A_916 = arith.constant 0 : i32
      %get3A_917 = tpu.memref_slice %arg12[%add3A_910, %get3A_916] : memref<512x64xf32, #tpu.memory_space<vmem>> -> memref<1x64xf32, #tpu.memory_space<vmem>>
      %get3A_918 = tpu.memref_squeeze %get3A_917 : memref<1x64xf32, #tpu.memory_space<vmem>> -> memref<64xf32, #tpu.memory_space<vmem>>
      %get3A_919 = arith.constant 0 : index
      %get3A_920 = tpu.vector_load %get3A_918[%get3A_919] {strides = array<i32>} : memref<64xf32, #tpu.memory_space<vmem>>, vector<16xf32>,
      %mul3A_921 = arith.mulf %get3A_915, %get3A_920 : vector<16xf32>
      %get3A_922 = arith.constant 0 : i32
      %get3A_923 = tpu.memref_slice %arg11[%add3A_910, %get3A_922] : memref<512x64xf32, #tpu.memory_space<vmem>> -> memref<1x64xf32, #tpu.memory_space<vmem>>
      %get3A_924 = tpu.memref_squeeze %get3A_923 : memref<1x64xf32, #tpu.memory_space<vmem>> -> memref<64xf32, #tpu.memory_space<vmem>>
      %get3A_925 = arith.constant 16 : index
      %get3A_926 = tpu.vector_load %get3A_924[%get3A_925] {strides = array<i32>} : memref<64xf32, #tpu.memory_space<vmem>>, vector<16xf32>,
      %get3A_927 = arith.constant 0 : i32
      %get3A_928 = tpu.memref_slice %arg12[%add3A_910, %get3A_927] : memref<512x64xf32, #tpu.memory_space<vmem>> -> memref<1x64xf32, #tpu.memory_space<vmem>>
      %get3A_929 = tpu.memref_squeeze %get3A_928 : memref<1x64xf32, #tpu.memory_space<vmem>> -> memref<64xf32, #tpu.memory_space<vmem>>
      %get3A_930 = arith.constant 16 : index
      %get3A_931 = tpu.vector_load %get3A_929[%get3A_930] {strides = array<i32>} : memref<64xf32, #tpu.memory_space<vmem>>, vector<16xf32>,
      %mul3A_932 = arith.mulf %get3A_926, %get3A_931 : vector<16xf32>
      %add3A_933 = arith.addf %mul3A_921, %mul3A_932 : vector<16xf32>
      %get3A_934 = arith.constant 0 : i32
      %get3A_935 = tpu.memref_slice %arg11[%add3A_910, %get3A_934] : memref<512x64xf32, #tpu.memory_space<vmem>> -> memref<1x64xf32, #tpu.memory_space<vmem>>
      %get3A_936 = tpu.memref_squeeze %get3A_935 : memref<1x64xf32, #tpu.memory_space<vmem>> -> memref<64xf32, #tpu.memory_space<vmem>>
      %get3A_937 = arith.constant 32 : index
      %get3A_938 = tpu.vector_load %get3A_936[%get3A_937] {strides = array<i32>} : memref<64xf32, #tpu.memory_space<vmem>>, vector<16xf32>,
      %get3A_939 = arith.constant 0 : i32
      %get3A_940 = tpu.memref_slice %arg12[%add3A_910, %get3A_939] : memref<512x64xf32, #tpu.memory_space<vmem>> -> memref<1x64xf32, #tpu.memory_space<vmem>>
      %get3A_941 = tpu.memref_squeeze %get3A_940 : memref<1x64xf32, #tpu.memory_space<vmem>> -> memref<64xf32, #tpu.memory_space<vmem>>
      %get3A_942 = arith.constant 32 : index
      %get3A_943 = tpu.vector_load %get3A_941[%get3A_942] {strides = array<i32>} : memref<64xf32, #tpu.memory_space<vmem>>, vector<16xf32>,
      %mul3A_944 = arith.mulf %get3A_938, %get3A_943 : vector<16xf32>
      %add3A_945 = arith.addf %add3A_933, %mul3A_944 : vector<16xf32>
      %get3A_946 = arith.constant 0 : i32
      %get3A_947 = tpu.memref_slice %arg11[%add3A_910, %get3A_946] : memref<512x64xf32, #tpu.memory_space<vmem>> -> memref<1x64xf32, #tpu.memory_space<vmem>>
      %get3A_948 = tpu.memref_squeeze %get3A_947 : memref<1x64xf32, #tpu.memory_space<vmem>> -> memref<64xf32, #tpu.memory_space<vmem>>
      %get3A_949 = arith.constant 48 : index
      %get3A_950 = tpu.vector_load %get3A_948[%get3A_949] {strides = array<i32>} : memref<64xf32, #tpu.memory_space<vmem>>, vector<16xf32>,
      %get3A_951 = arith.constant 0 : i32
      %get3A_952 = tpu.memref_slice %arg12[%add3A_910, %get3A_951] : memref<512x64xf32, #tpu.memory_space<vmem>> -> memref<1x64xf32, #tpu.memory_space<vmem>>
      %get3A_953 = tpu.memref_squeeze %get3A_952 : memref<1x64xf32, #tpu.memory_space<vmem>> -> memref<64xf32, #tpu.memory_space<vmem>>
      %get3A_954 = arith.constant 48 : index
      %get3A_955 = tpu.vector_load %get3A_953[%get3A_954] {strides = array<i32>} : memref<64xf32, #tpu.memory_space<vmem>>, vector<16xf32>,
      %mul3A_956 = arith.mulf %get3A_950, %get3A_955 : vector<16xf32>
      %add3A_957 = arith.addf %add3A_945, %mul3A_956 : vector<16xf32>
      %eq3A_958 = arith.constant 11 : i32
      %eq3A_959 = vector.broadcast %eq3A_958 : i32 to vector<16xi32>
      %eq3A_960 = arith.cmpi eq, %iota3A, %eq3A_959 : vector<16xi32>
      %reduce_sum3A_961 = arith.constant true
      %reduce_sum3A_962 = vector.broadcast %reduce_sum3A_961 : i1 to vector<16xi1>
      %reduce_sum3A_963 = tpu.scan <sum>, %add3A_957 masked %reduce_sum3A_962 : vector<16xf32>, vector<16xi1> -> vector<16xf32>
      %reduce_sum3A_964 = vector.extract %reduce_sum3A_963[15] : f32 from vector<16xf32>
      %add3A_965 = vector.broadcast %reduce_sum3A_964 : f32 to vector<16xf32>
      %add3A_966 = arith.addf %select_n3A_906, %add3A_965 : vector<16xf32>
      %select_n3A_967 = arith.select %eq3A_960, %add3A_966, %select_n3A_906 : vector<16xi1>, vector<16xf32>
      %mul3A_968 = arith.constant 16 : i32
      %mul3A_969 = arith.muli %scan3A_230, %mul3A_968 : i32
      %add3A_970 = arith.constant 12 : i32
      %add3A_971 = arith.addi %mul3A_969, %add3A_970 : i32
      %get3A_972 = arith.constant 0 : i32
      %get3A_973 = tpu.memref_slice %arg11[%add3A_971, %get3A_972] : memref<512x64xf32, #tpu.memory_space<vmem>> -> memref<1x64xf32, #tpu.memory_space<vmem>>
      %get3A_974 = tpu.memref_squeeze %get3A_973 : memref<1x64xf32, #tpu.memory_space<vmem>> -> memref<64xf32, #tpu.memory_space<vmem>>
      %get3A_975 = arith.constant 0 : index
      %get3A_976 = tpu.vector_load %get3A_974[%get3A_975] {strides = array<i32>} : memref<64xf32, #tpu.memory_space<vmem>>, vector<16xf32>,
      %get3A_977 = arith.constant 0 : i32
      %get3A_978 = tpu.memref_slice %arg12[%add3A_971, %get3A_977] : memref<512x64xf32, #tpu.memory_space<vmem>> -> memref<1x64xf32, #tpu.memory_space<vmem>>
      %get3A_979 = tpu.memref_squeeze %get3A_978 : memref<1x64xf32, #tpu.memory_space<vmem>> -> memref<64xf32, #tpu.memory_space<vmem>>
      %get3A_980 = arith.constant 0 : index
      %get3A_981 = tpu.vector_load %get3A_979[%get3A_980] {strides = array<i32>} : memref<64xf32, #tpu.memory_space<vmem>>, vector<16xf32>,
      %mul3A_982 = arith.mulf %get3A_976, %get3A_981 : vector<16xf32>
      %get3A_983 = arith.constant 0 : i32
      %get3A_984 = tpu.memref_slice %arg11[%add3A_971, %get3A_983] : memref<512x64xf32, #tpu.memory_space<vmem>> -> memref<1x64xf32, #tpu.memory_space<vmem>>
      %get3A_985 = tpu.memref_squeeze %get3A_984 : memref<1x64xf32, #tpu.memory_space<vmem>> -> memref<64xf32, #tpu.memory_space<vmem>>
      %get3A_986 = arith.constant 16 : index
      %get3A_987 = tpu.vector_load %get3A_985[%get3A_986] {strides = array<i32>} : memref<64xf32, #tpu.memory_space<vmem>>, vector<16xf32>,
      %get3A_988 = arith.constant 0 : i32
      %get3A_989 = tpu.memref_slice %arg12[%add3A_971, %get3A_988] : memref<512x64xf32, #tpu.memory_space<vmem>> -> memref<1x64xf32, #tpu.memory_space<vmem>>
      %get3A_990 = tpu.memref_squeeze %get3A_989 : memref<1x64xf32, #tpu.memory_space<vmem>> -> memref<64xf32, #tpu.memory_space<vmem>>
      %get3A_991 = arith.constant 16 : index
      %get3A_992 = tpu.vector_load %get3A_990[%get3A_991] {strides = array<i32>} : memref<64xf32, #tpu.memory_space<vmem>>, vector<16xf32>,
      %mul3A_993 = arith.mulf %get3A_987, %get3A_992 : vector<16xf32>
      %add3A_994 = arith.addf %mul3A_982, %mul3A_993 : vector<16xf32>
      %get3A_995 = arith.constant 0 : i32
      %get3A_996 = tpu.memref_slice %arg11[%add3A_971, %get3A_995] : memref<512x64xf32, #tpu.memory_space<vmem>> -> memref<1x64xf32, #tpu.memory_space<vmem>>
      %get3A_997 = tpu.memref_squeeze %get3A_996 : memref<1x64xf32, #tpu.memory_space<vmem>> -> memref<64xf32, #tpu.memory_space<vmem>>
      %get3A_998 = arith.constant 32 : index
      %get3A_999 = tpu.vector_load %get3A_997[%get3A_998] {strides = array<i32>} : memref<64xf32, #tpu.memory_space<vmem>>, vector<16xf32>,
      %get3A_1000 = arith.constant 0 : i32
      %get3A_1001 = tpu.memref_slice %arg12[%add3A_971, %get3A_1000] : memref<512x64xf32, #tpu.memory_space<vmem>> -> memref<1x64xf32, #tpu.memory_space<vmem>>
      %get3A_1002 = tpu.memref_squeeze %get3A_1001 : memref<1x64xf32, #tpu.memory_space<vmem>> -> memref<64xf32, #tpu.memory_space<vmem>>
      %get3A_1003 = arith.constant 32 : index
      %get3A_1004 = tpu.vector_load %get3A_1002[%get3A_1003] {strides = array<i32>} : memref<64xf32, #tpu.memory_space<vmem>>, vector<16xf32>,
      %mul3A_1005 = arith.mulf %get3A_999, %get3A_1004 : vector<16xf32>
      %add3A_1006 = arith.addf %add3A_994, %mul3A_1005 : vector<16xf32>
      %get3A_1007 = arith.constant 0 : i32
      %get3A_1008 = tpu.memref_slice %arg11[%add3A_971, %get3A_1007] : memref<512x64xf32, #tpu.memory_space<vmem>> -> memref<1x64xf32, #tpu.memory_space<vmem>>
      %get3A_1009 = tpu.memref_squeeze %get3A_1008 : memref<1x64xf32, #tpu.memory_space<vmem>> -> memref<64xf32, #tpu.memory_space<vmem>>
      %get3A_1010 = arith.constant 48 : index
      %get3A_1011 = tpu.vector_load %get3A_1009[%get3A_1010] {strides = array<i32>} : memref<64xf32, #tpu.memory_space<vmem>>, vector<16xf32>,
      %get3A_1012 = arith.constant 0 : i32
      %get3A_1013 = tpu.memref_slice %arg12[%add3A_971, %get3A_1012] : memref<512x64xf32, #tpu.memory_space<vmem>> -> memref<1x64xf32, #tpu.memory_space<vmem>>
      %get3A_1014 = tpu.memref_squeeze %get3A_1013 : memref<1x64xf32, #tpu.memory_space<vmem>> -> memref<64xf32, #tpu.memory_space<vmem>>
      %get3A_1015 = arith.constant 48 : index
      %get3A_1016 = tpu.vector_load %get3A_1014[%get3A_1015] {strides = array<i32>} : memref<64xf32, #tpu.memory_space<vmem>>, vector<16xf32>,
      %mul3A_1017 = arith.mulf %get3A_1011, %get3A_1016 : vector<16xf32>
      %add3A_1018 = arith.addf %add3A_1006, %mul3A_1017 : vector<16xf32>
      %eq3A_1019 = arith.constant 12 : i32
      %eq3A_1020 = vector.broadcast %eq3A_1019 : i32 to vector<16xi32>
      %eq3A_1021 = arith.cmpi eq, %iota3A, %eq3A_1020 : vector<16xi32>
      %reduce_sum3A_1022 = arith.constant true
      %reduce_sum3A_1023 = vector.broadcast %reduce_sum3A_1022 : i1 to vector<16xi1>
      %reduce_sum3A_1024 = tpu.scan <sum>, %add3A_1018 masked %reduce_sum3A_1023 : vector<16xf32>, vector<16xi1> -> vector<16xf32>
      %reduce_sum3A_1025 = vector.extract %reduce_sum3A_1024[15] : f32 from vector<16xf32>
      %add3A_1026 = vector.broadcast %reduce_sum3A_1025 : f32 to vector<16xf32>
      %add3A_1027 = arith.addf %select_n3A_967, %add3A_1026 : vector<16xf32>
      %select_n3A_1028 = arith.select %eq3A_1021, %add3A_1027, %select_n3A_967 : vector<16xi1>, vector<16xf32>
      %mul3A_1029 = arith.constant 16 : i32
      %mul3A_1030 = arith.muli %scan3A_230, %mul3A_1029 : i32
      %add3A_1031 = arith.constant 13 : i32
      %add3A_1032 = arith.addi %mul3A_1030, %add3A_1031 : i32
      %get3A_1033 = arith.constant 0 : i32
      %get3A_1034 = tpu.memref_slice %arg11[%add3A_1032, %get3A_1033] : memref<512x64xf32, #tpu.memory_space<vmem>> -> memref<1x64xf32, #tpu.memory_space<vmem>>
      %get3A_1035 = tpu.memref_squeeze %get3A_1034 : memref<1x64xf32, #tpu.memory_space<vmem>> -> memref<64xf32, #tpu.memory_space<vmem>>
      %get3A_1036 = arith.constant 0 : index
      %get3A_1037 = tpu.vector_load %get3A_1035[%get3A_1036] {strides = array<i32>} : memref<64xf32, #tpu.memory_space<vmem>>, vector<16xf32>,
      %get3A_1038 = arith.constant 0 : i32
      %get3A_1039 = tpu.memref_slice %arg12[%add3A_1032, %get3A_1038] : memref<512x64xf32, #tpu.memory_space<vmem>> -> memref<1x64xf32, #tpu.memory_space<vmem>>
      %get3A_1040 = tpu.memref_squeeze %get3A_1039 : memref<1x64xf32, #tpu.memory_space<vmem>> -> memref<64xf32, #tpu.memory_space<vmem>>
      %get3A_1041 = arith.constant 0 : index
      %get3A_1042 = tpu.vector_load %get3A_1040[%get3A_1041] {strides = array<i32>} : memref<64xf32, #tpu.memory_space<vmem>>, vector<16xf32>,
      %mul3A_1043 = arith.mulf %get3A_1037, %get3A_1042 : vector<16xf32>
      %get3A_1044 = arith.constant 0 : i32
      %get3A_1045 = tpu.memref_slice %arg11[%add3A_1032, %get3A_1044] : memref<512x64xf32, #tpu.memory_space<vmem>> -> memref<1x64xf32, #tpu.memory_space<vmem>>
      %get3A_1046 = tpu.memref_squeeze %get3A_1045 : memref<1x64xf32, #tpu.memory_space<vmem>> -> memref<64xf32, #tpu.memory_space<vmem>>
      %get3A_1047 = arith.constant 16 : index
      %get3A_1048 = tpu.vector_load %get3A_1046[%get3A_1047] {strides = array<i32>} : memref<64xf32, #tpu.memory_space<vmem>>, vector<16xf32>,
      %get3A_1049 = arith.constant 0 : i32
      %get3A_1050 = tpu.memref_slice %arg12[%add3A_1032, %get3A_1049] : memref<512x64xf32, #tpu.memory_space<vmem>> -> memref<1x64xf32, #tpu.memory_space<vmem>>
      %get3A_1051 = tpu.memref_squeeze %get3A_1050 : memref<1x64xf32, #tpu.memory_space<vmem>> -> memref<64xf32, #tpu.memory_space<vmem>>
      %get3A_1052 = arith.constant 16 : index
      %get3A_1053 = tpu.vector_load %get3A_1051[%get3A_1052] {strides = array<i32>} : memref<64xf32, #tpu.memory_space<vmem>>, vector<16xf32>,
      %mul3A_1054 = arith.mulf %get3A_1048, %get3A_1053 : vector<16xf32>
      %add3A_1055 = arith.addf %mul3A_1043, %mul3A_1054 : vector<16xf32>
      %get3A_1056 = arith.constant 0 : i32
      %get3A_1057 = tpu.memref_slice %arg11[%add3A_1032, %get3A_1056] : memref<512x64xf32, #tpu.memory_space<vmem>> -> memref<1x64xf32, #tpu.memory_space<vmem>>
      %get3A_1058 = tpu.memref_squeeze %get3A_1057 : memref<1x64xf32, #tpu.memory_space<vmem>> -> memref<64xf32, #tpu.memory_space<vmem>>
      %get3A_1059 = arith.constant 32 : index
      %get3A_1060 = tpu.vector_load %get3A_1058[%get3A_1059] {strides = array<i32>} : memref<64xf32, #tpu.memory_space<vmem>>, vector<16xf32>,
      %get3A_1061 = arith.constant 0 : i32
      %get3A_1062 = tpu.memref_slice %arg12[%add3A_1032, %get3A_1061] : memref<512x64xf32, #tpu.memory_space<vmem>> -> memref<1x64xf32, #tpu.memory_space<vmem>>
      %get3A_1063 = tpu.memref_squeeze %get3A_1062 : memref<1x64xf32, #tpu.memory_space<vmem>> -> memref<64xf32, #tpu.memory_space<vmem>>
      %get3A_1064 = arith.constant 32 : index
      %get3A_1065 = tpu.vector_load %get3A_1063[%get3A_1064] {strides = array<i32>} : memref<64xf32, #tpu.memory_space<vmem>>, vector<16xf32>,
      %mul3A_1066 = arith.mulf %get3A_1060, %get3A_1065 : vector<16xf32>
      %add3A_1067 = arith.addf %add3A_1055, %mul3A_1066 : vector<16xf32>
      %get3A_1068 = arith.constant 0 : i32
      %get3A_1069 = tpu.memref_slice %arg11[%add3A_1032, %get3A_1068] : memref<512x64xf32, #tpu.memory_space<vmem>> -> memref<1x64xf32, #tpu.memory_space<vmem>>
      %get3A_1070 = tpu.memref_squeeze %get3A_1069 : memref<1x64xf32, #tpu.memory_space<vmem>> -> memref<64xf32, #tpu.memory_space<vmem>>
      %get3A_1071 = arith.constant 48 : index
      %get3A_1072 = tpu.vector_load %get3A_1070[%get3A_1071] {strides = array<i32>} : memref<64xf32, #tpu.memory_space<vmem>>, vector<16xf32>,
      %get3A_1073 = arith.constant 0 : i32
      %get3A_1074 = tpu.memref_slice %arg12[%add3A_1032, %get3A_1073] : memref<512x64xf32, #tpu.memory_space<vmem>> -> memref<1x64xf32, #tpu.memory_space<vmem>>
      %get3A_1075 = tpu.memref_squeeze %get3A_1074 : memref<1x64xf32, #tpu.memory_space<vmem>> -> memref<64xf32, #tpu.memory_space<vmem>>
      %get3A_1076 = arith.constant 48 : index
      %get3A_1077 = tpu.vector_load %get3A_1075[%get3A_1076] {strides = array<i32>} : memref<64xf32, #tpu.memory_space<vmem>>, vector<16xf32>,
      %mul3A_1078 = arith.mulf %get3A_1072, %get3A_1077 : vector<16xf32>
      %add3A_1079 = arith.addf %add3A_1067, %mul3A_1078 : vector<16xf32>
      %eq3A_1080 = arith.constant 13 : i32
      %eq3A_1081 = vector.broadcast %eq3A_1080 : i32 to vector<16xi32>
      %eq3A_1082 = arith.cmpi eq, %iota3A, %eq3A_1081 : vector<16xi32>
      %reduce_sum3A_1083 = arith.constant true
      %reduce_sum3A_1084 = vector.broadcast %reduce_sum3A_1083 : i1 to vector<16xi1>
      %reduce_sum3A_1085 = tpu.scan <sum>, %add3A_1079 masked %reduce_sum3A_1084 : vector<16xf32>, vector<16xi1> -> vector<16xf32>
      %reduce_sum3A_1086 = vector.extract %reduce_sum3A_1085[15] : f32 from vector<16xf32>
      %add3A_1087 = vector.broadcast %reduce_sum3A_1086 : f32 to vector<16xf32>
      %add3A_1088 = arith.addf %select_n3A_1028, %add3A_1087 : vector<16xf32>
      %select_n3A_1089 = arith.select %eq3A_1082, %add3A_1088, %select_n3A_1028 : vector<16xi1>, vector<16xf32>
      %mul3A_1090 = arith.constant 16 : i32
      %mul3A_1091 = arith.muli %scan3A_230, %mul3A_1090 : i32
      %add3A_1092 = arith.constant 14 : i32
      %add3A_1093 = arith.addi %mul3A_1091, %add3A_1092 : i32
      %get3A_1094 = arith.constant 0 : i32
      %get3A_1095 = tpu.memref_slice %arg11[%add3A_1093, %get3A_1094] : memref<512x64xf32, #tpu.memory_space<vmem>> -> memref<1x64xf32, #tpu.memory_space<vmem>>
      %get3A_1096 = tpu.memref_squeeze %get3A_1095 : memref<1x64xf32, #tpu.memory_space<vmem>> -> memref<64xf32, #tpu.memory_space<vmem>>
      %get3A_1097 = arith.constant 0 : index
      %get3A_1098 = tpu.vector_load %get3A_1096[%get3A_1097] {strides = array<i32>} : memref<64xf32, #tpu.memory_space<vmem>>, vector<16xf32>,
      %get3A_1099 = arith.constant 0 : i32
      %get3A_1100 = tpu.memref_slice %arg12[%add3A_1093, %get3A_1099] : memref<512x64xf32, #tpu.memory_space<vmem>> -> memref<1x64xf32, #tpu.memory_space<vmem>>
      %get3A_1101 = tpu.memref_squeeze %get3A_1100 : memref<1x64xf32, #tpu.memory_space<vmem>> -> memref<64xf32, #tpu.memory_space<vmem>>
      %get3A_1102 = arith.constant 0 : index
      %get3A_1103 = tpu.vector_load %get3A_1101[%get3A_1102] {strides = array<i32>} : memref<64xf32, #tpu.memory_space<vmem>>, vector<16xf32>,
      %mul3A_1104 = arith.mulf %get3A_1098, %get3A_1103 : vector<16xf32>
      %get3A_1105 = arith.constant 0 : i32
      %get3A_1106 = tpu.memref_slice %arg11[%add3A_1093, %get3A_1105] : memref<512x64xf32, #tpu.memory_space<vmem>> -> memref<1x64xf32, #tpu.memory_space<vmem>>
      %get3A_1107 = tpu.memref_squeeze %get3A_1106 : memref<1x64xf32, #tpu.memory_space<vmem>> -> memref<64xf32, #tpu.memory_space<vmem>>
      %get3A_1108 = arith.constant 16 : index
      %get3A_1109 = tpu.vector_load %get3A_1107[%get3A_1108] {strides = array<i32>} : memref<64xf32, #tpu.memory_space<vmem>>, vector<16xf32>,
      %get3A_1110 = arith.constant 0 : i32
      %get3A_1111 = tpu.memref_slice %arg12[%add3A_1093, %get3A_1110] : memref<512x64xf32, #tpu.memory_space<vmem>> -> memref<1x64xf32, #tpu.memory_space<vmem>>
      %get3A_1112 = tpu.memref_squeeze %get3A_1111 : memref<1x64xf32, #tpu.memory_space<vmem>> -> memref<64xf32, #tpu.memory_space<vmem>>
      %get3A_1113 = arith.constant 16 : index
      %get3A_1114 = tpu.vector_load %get3A_1112[%get3A_1113] {strides = array<i32>} : memref<64xf32, #tpu.memory_space<vmem>>, vector<16xf32>,
      %mul3A_1115 = arith.mulf %get3A_1109, %get3A_1114 : vector<16xf32>
      %add3A_1116 = arith.addf %mul3A_1104, %mul3A_1115 : vector<16xf32>
      %get3A_1117 = arith.constant 0 : i32
      %get3A_1118 = tpu.memref_slice %arg11[%add3A_1093, %get3A_1117] : memref<512x64xf32, #tpu.memory_space<vmem>> -> memref<1x64xf32, #tpu.memory_space<vmem>>
      %get3A_1119 = tpu.memref_squeeze %get3A_1118 : memref<1x64xf32, #tpu.memory_space<vmem>> -> memref<64xf32, #tpu.memory_space<vmem>>
      %get3A_1120 = arith.constant 32 : index
      %get3A_1121 = tpu.vector_load %get3A_1119[%get3A_1120] {strides = array<i32>} : memref<64xf32, #tpu.memory_space<vmem>>, vector<16xf32>,
      %get3A_1122 = arith.constant 0 : i32
      %get3A_1123 = tpu.memref_slice %arg12[%add3A_1093, %get3A_1122] : memref<512x64xf32, #tpu.memory_space<vmem>> -> memref<1x64xf32, #tpu.memory_space<vmem>>
      %get3A_1124 = tpu.memref_squeeze %get3A_1123 : memref<1x64xf32, #tpu.memory_space<vmem>> -> memref<64xf32, #tpu.memory_space<vmem>>
      %get3A_1125 = arith.constant 32 : index
      %get3A_1126 = tpu.vector_load %get3A_1124[%get3A_1125] {strides = array<i32>} : memref<64xf32, #tpu.memory_space<vmem>>, vector<16xf32>,
      %mul3A_1127 = arith.mulf %get3A_1121, %get3A_1126 : vector<16xf32>
      %add3A_1128 = arith.addf %add3A_1116, %mul3A_1127 : vector<16xf32>
      %get3A_1129 = arith.constant 0 : i32
      %get3A_1130 = tpu.memref_slice %arg11[%add3A_1093, %get3A_1129] : memref<512x64xf32, #tpu.memory_space<vmem>> -> memref<1x64xf32, #tpu.memory_space<vmem>>
      %get3A_1131 = tpu.memref_squeeze %get3A_1130 : memref<1x64xf32, #tpu.memory_space<vmem>> -> memref<64xf32, #tpu.memory_space<vmem>>
      %get3A_1132 = arith.constant 48 : index
      %get3A_1133 = tpu.vector_load %get3A_1131[%get3A_1132] {strides = array<i32>} : memref<64xf32, #tpu.memory_space<vmem>>, vector<16xf32>,
      %get3A_1134 = arith.constant 0 : i32
      %get3A_1135 = tpu.memref_slice %arg12[%add3A_1093, %get3A_1134] : memref<512x64xf32, #tpu.memory_space<vmem>> -> memref<1x64xf32, #tpu.memory_space<vmem>>
      %get3A_1136 = tpu.memref_squeeze %get3A_1135 : memref<1x64xf32, #tpu.memory_space<vmem>> -> memref<64xf32, #tpu.memory_space<vmem>>
      %get3A_1137 = arith.constant 48 : index
      %get3A_1138 = tpu.vector_load %get3A_1136[%get3A_1137] {strides = array<i32>} : memref<64xf32, #tpu.memory_space<vmem>>, vector<16xf32>,
      %mul3A_1139 = arith.mulf %get3A_1133, %get3A_1138 : vector<16xf32>
      %add3A_1140 = arith.addf %add3A_1128, %mul3A_1139 : vector<16xf32>
      %eq3A_1141 = arith.constant 14 : i32
      %eq3A_1142 = vector.broadcast %eq3A_1141 : i32 to vector<16xi32>
      %eq3A_1143 = arith.cmpi eq, %iota3A, %eq3A_1142 : vector<16xi32>
      %reduce_sum3A_1144 = arith.constant true
      %reduce_sum3A_1145 = vector.broadcast %reduce_sum3A_1144 : i1 to vector<16xi1>
      %reduce_sum3A_1146 = tpu.scan <sum>, %add3A_1140 masked %reduce_sum3A_1145 : vector<16xf32>, vector<16xi1> -> vector<16xf32>
      %reduce_sum3A_1147 = vector.extract %reduce_sum3A_1146[15] : f32 from vector<16xf32>
      %add3A_1148 = vector.broadcast %reduce_sum3A_1147 : f32 to vector<16xf32>
      %add3A_1149 = arith.addf %select_n3A_1089, %add3A_1148 : vector<16xf32>
      %select_n3A_1150 = arith.select %eq3A_1143, %add3A_1149, %select_n3A_1089 : vector<16xi1>, vector<16xf32>
      %mul3A_1151 = arith.constant 16 : i32
      %mul3A_1152 = arith.muli %scan3A_230, %mul3A_1151 : i32
      %add3A_1153 = arith.constant 15 : i32
      %add3A_1154 = arith.addi %mul3A_1152, %add3A_1153 : i32
      %get3A_1155 = arith.constant 0 : i32
      %get3A_1156 = tpu.memref_slice %arg11[%add3A_1154, %get3A_1155] : memref<512x64xf32, #tpu.memory_space<vmem>> -> memref<1x64xf32, #tpu.memory_space<vmem>>
      %get3A_1157 = tpu.memref_squeeze %get3A_1156 : memref<1x64xf32, #tpu.memory_space<vmem>> -> memref<64xf32, #tpu.memory_space<vmem>>
      %get3A_1158 = arith.constant 0 : index
      %get3A_1159 = tpu.vector_load %get3A_1157[%get3A_1158] {strides = array<i32>} : memref<64xf32, #tpu.memory_space<vmem>>, vector<16xf32>,
      %get3A_1160 = arith.constant 0 : i32
      %get3A_1161 = tpu.memref_slice %arg12[%add3A_1154, %get3A_1160] : memref<512x64xf32, #tpu.memory_space<vmem>> -> memref<1x64xf32, #tpu.memory_space<vmem>>
      %get3A_1162 = tpu.memref_squeeze %get3A_1161 : memref<1x64xf32, #tpu.memory_space<vmem>> -> memref<64xf32, #tpu.memory_space<vmem>>
      %get3A_1163 = arith.constant 0 : index
      %get3A_1164 = tpu.vector_load %get3A_1162[%get3A_1163] {strides = array<i32>} : memref<64xf32, #tpu.memory_space<vmem>>, vector<16xf32>,
      %mul3A_1165 = arith.mulf %get3A_1159, %get3A_1164 : vector<16xf32>
      %get3A_1166 = arith.constant 0 : i32
      %get3A_1167 = tpu.memref_slice %arg11[%add3A_1154, %get3A_1166] : memref<512x64xf32, #tpu.memory_space<vmem>> -> memref<1x64xf32, #tpu.memory_space<vmem>>
      %get3A_1168 = tpu.memref_squeeze %get3A_1167 : memref<1x64xf32, #tpu.memory_space<vmem>> -> memref<64xf32, #tpu.memory_space<vmem>>
      %get3A_1169 = arith.constant 16 : index
      %get3A_1170 = tpu.vector_load %get3A_1168[%get3A_1169] {strides = array<i32>} : memref<64xf32, #tpu.memory_space<vmem>>, vector<16xf32>,
      %get3A_1171 = arith.constant 0 : i32
      %get3A_1172 = tpu.memref_slice %arg12[%add3A_1154, %get3A_1171] : memref<512x64xf32, #tpu.memory_space<vmem>> -> memref<1x64xf32, #tpu.memory_space<vmem>>
      %get3A_1173 = tpu.memref_squeeze %get3A_1172 : memref<1x64xf32, #tpu.memory_space<vmem>> -> memref<64xf32, #tpu.memory_space<vmem>>
      %get3A_1174 = arith.constant 16 : index
      %get3A_1175 = tpu.vector_load %get3A_1173[%get3A_1174] {strides = array<i32>} : memref<64xf32, #tpu.memory_space<vmem>>, vector<16xf32>,
      %mul3A_1176 = arith.mulf %get3A_1170, %get3A_1175 : vector<16xf32>
      %add3A_1177 = arith.addf %mul3A_1165, %mul3A_1176 : vector<16xf32>
      %get3A_1178 = arith.constant 0 : i32
      %get3A_1179 = tpu.memref_slice %arg11[%add3A_1154, %get3A_1178] : memref<512x64xf32, #tpu.memory_space<vmem>> -> memref<1x64xf32, #tpu.memory_space<vmem>>
      %get3A_1180 = tpu.memref_squeeze %get3A_1179 : memref<1x64xf32, #tpu.memory_space<vmem>> -> memref<64xf32, #tpu.memory_space<vmem>>
      %get3A_1181 = arith.constant 32 : index
      %get3A_1182 = tpu.vector_load %get3A_1180[%get3A_1181] {strides = array<i32>} : memref<64xf32, #tpu.memory_space<vmem>>, vector<16xf32>,
      %get3A_1183 = arith.constant 0 : i32
      %get3A_1184 = tpu.memref_slice %arg12[%add3A_1154, %get3A_1183] : memref<512x64xf32, #tpu.memory_space<vmem>> -> memref<1x64xf32, #tpu.memory_space<vmem>>
      %get3A_1185 = tpu.memref_squeeze %get3A_1184 : memref<1x64xf32, #tpu.memory_space<vmem>> -> memref<64xf32, #tpu.memory_space<vmem>>
      %get3A_1186 = arith.constant 32 : index
      %get3A_1187 = tpu.vector_load %get3A_1185[%get3A_1186] {strides = array<i32>} : memref<64xf32, #tpu.memory_space<vmem>>, vector<16xf32>,
      %mul3A_1188 = arith.mulf %get3A_1182, %get3A_1187 : vector<16xf32>
      %add3A_1189 = arith.addf %add3A_1177, %mul3A_1188 : vector<16xf32>
      %get3A_1190 = arith.constant 0 : i32
      %get3A_1191 = tpu.memref_slice %arg11[%add3A_1154, %get3A_1190] : memref<512x64xf32, #tpu.memory_space<vmem>> -> memref<1x64xf32, #tpu.memory_space<vmem>>
      %get3A_1192 = tpu.memref_squeeze %get3A_1191 : memref<1x64xf32, #tpu.memory_space<vmem>> -> memref<64xf32, #tpu.memory_space<vmem>>
      %get3A_1193 = arith.constant 48 : index
      %get3A_1194 = tpu.vector_load %get3A_1192[%get3A_1193] {strides = array<i32>} : memref<64xf32, #tpu.memory_space<vmem>>, vector<16xf32>,
      %get3A_1195 = arith.constant 0 : i32
      %get3A_1196 = tpu.memref_slice %arg12[%add3A_1154, %get3A_1195] : memref<512x64xf32, #tpu.memory_space<vmem>> -> memref<1x64xf32, #tpu.memory_space<vmem>>
      %get3A_1197 = tpu.memref_squeeze %get3A_1196 : memref<1x64xf32, #tpu.memory_space<vmem>> -> memref<64xf32, #tpu.memory_space<vmem>>
      %get3A_1198 = arith.constant 48 : index
      %get3A_1199 = tpu.vector_load %get3A_1197[%get3A_1198] {strides = array<i32>} : memref<64xf32, #tpu.memory_space<vmem>>, vector<16xf32>,
      %mul3A_1200 = arith.mulf %get3A_1194, %get3A_1199 : vector<16xf32>
      %add3A_1201 = arith.addf %add3A_1189, %mul3A_1200 : vector<16xf32>
      %eq3A_1202 = arith.constant 15 : i32
      %eq3A_1203 = vector.broadcast %eq3A_1202 : i32 to vector<16xi32>
      %eq3A_1204 = arith.cmpi eq, %iota3A, %eq3A_1203 : vector<16xi32>
      %reduce_sum3A_1205 = arith.constant true
      %reduce_sum3A_1206 = vector.broadcast %reduce_sum3A_1205 : i1 to vector<16xi1>
      %reduce_sum3A_1207 = tpu.scan <sum>, %add3A_1201 masked %reduce_sum3A_1206 : vector<16xf32>, vector<16xi1> -> vector<16xf32>
      %reduce_sum3A_1208 = vector.extract %reduce_sum3A_1207[15] : f32 from vector<16xf32>
      %add3A_1209 = vector.broadcast %reduce_sum3A_1208 : f32 to vector<16xf32>
      %add3A_1210 = arith.addf %select_n3A_1150, %add3A_1209 : vector<16xf32>
      %select_n3A_1211 = arith.select %eq3A_1204, %add3A_1210, %select_n3A_1150 : vector<16xi1>, vector<16xf32>
      %mul3A_1212 = arith.constant 16 : i32
      %mul3A_1213 = arith.muli %scan3A_230, %mul3A_1212 : i32
      %swap3A = arith.index_cast %mul3A_1213 : i32 to index
      %swap3A_1214 = tpu.vector_load %arg15[%swap3A] {strides = array<i32>} : memref<512xf32, #tpu.memory_space<vmem>>, vector<16xf32>,
      tpu.vector_store %arg15[%swap3A], %select_n3A_1211 {strides = array<i32>} : memref<512xf32, #tpu.memory_space<vmem>>, vector<16xf32>,
    }
    %scan3A_229 = arith.constant 32 : i32
    "tpu.region"() ({
      %run_scoped3A = tpu.sem_alloc : memref<!tpu.dma_semaphore, #tpu.memory_space<semaphore_mem>>
      %dma_start3A_230 = tpu.memref_slice %arg8[%mul3A_2] : memref<16384xf32, #tpu.memory_space<hbm>> -> memref<512xf32, #tpu.memory_space<hbm>>
      %dma_start3A_231 = tpu.memref_slice %arg8[%mul3A_2] : memref<16384xf32, #tpu.memory_space<hbm>> -> memref<512xf32, #tpu.memory_space<hbm>>
      tpu.enqueue_dma source(%arg15 : memref<512xf32, #tpu.memory_space<vmem>>) target(%dma_start3A_231 : memref<512xf32, #tpu.memory_space<hbm>>) target_semaphore(%run_scoped3A : memref<!tpu.dma_semaphore, #tpu.memory_space<semaphore_mem>>)
      %dma_wait3A_232 = tpu.memref_slice %arg8[%mul3A_2] : memref<16384xf32, #tpu.memory_space<hbm>> -> memref<512xf32, #tpu.memory_space<hbm>>
      %dma_wait3A_233 = tpu.memref_slice %arg8[%mul3A_2] : memref<16384xf32, #tpu.memory_space<hbm>> -> memref<512xf32, #tpu.memory_space<hbm>>
      tpu.wait_dma2 semaphore(%run_scoped3A : memref<!tpu.dma_semaphore, #tpu.memory_space<semaphore_mem>>) src(%arg15 : memref<512xf32, #tpu.memory_space<vmem>>) dst(%dma_wait3A_233 : memref<512xf32, #tpu.memory_space<hbm>>)
      tpu.yield
    }) : () -> ()
    return
  }
}

</mosaic_0001>

<sc_bundles>
// kernel: kernel.3.cloned.1.call-start
scs
__scs_entry_jumppad:
0x0: {  	(pc) =	sbr.rel $0x88, $3  }
0x1: {  	(tag) =	ssettag $0x0;
	lr =	simm.s32 $0x1  }
0x2: {  	[smem:$0x3F9B] =	sst lr;
	_ =	strace $0xD0000000  }
0x3: {  	_ = 	snop  }
0x4: {  	_ = 	snop  }
0x5: {  	_ = 	snop  }
0x6: {  	_ = 	snop  }
0x7: {  	_ = 	snop  }
__scs_overlays_trampoline_lowered:
0x8: {  	[smem:$0x3FAA] =	sst s0  }
0x9: {  	[smem:$0x3FAB] =	sst s1  }
0xa: {  	[smem:$0x3FAC] =	sst s2  }
0xb: {  	[smem:$0x3FAD] =	sst s3  }
0xc: {  	[smem:$0x3FAE] =	sst s4  }
0xd: {  	[smem:$0x3FAF] =	sst s5  }
0xe: {  	[smem:$0x3FB0] =	sst s6  }
0xf: {  	[smem:$0x3FB1] =	sst s7  }
0x10: {  	[smem:$0x3FB2] =	sst s8  }
0x11: {  	[smem:$0x3FB3] =	sst s9;
	s0 =	simm.s32 @!p0 $0x0  }
0x12: {  	s1 =	sld [smem:$0x3F99];
	s0 =	simm.s32 @p0 $0x1  }
0x13: {  	[smem:$0x3FB4] =	sst s0;
	s0 =	simm.s32 @!p1 $0x0  }
0x14: {  	s2 =	sld [smem:$0x3F98];
	s0 =	simm.s32 @p1 $0x1  }
0x15: {  	[smem:$0x3FB5] =	sst s0;
	s0 =	simm.s32 @!p2 $0x0  }
0x16: {  	s3 =	sld [smem:$0x3FDB];
	s0 =	simm.s32 @p2 $0x1  }
0x17: {  	s4 =	simm.s32 $0x1BF5;
	[smem:$0x3FB7] =	sst s0  }
0x18: {  	s0 =	sld [smem:$0x3F9A];
	_ =	swait.ge [sflag:s4], $0x0  }
0x19: {  	s7 =	sld [smem:$0x3F9B]  }
0x1a: {  	s8 =	sadd.s32 $0xFFFFE003, lr  }
0x1b: {  	s9 =	sadd.s32 $0xFFFFFEF7, lr;
	s5 =	simm.s32 $0xFFFFFFFF;
	p2 =	slt.u32 s8, $0xFFFFF086  }
0x1c: {  	p1 =	slt.u32 s9, $0xF7A;
	s5 =	simm.s32 @!p2 $0x0  }
0x1d: {  	s5 =	simm.s32 @p1 $0x1;
	p0 =	seq.s32 s7, s2  }
0x1e: {  	s7 =	smul.u32 @!p0 $0xF7A, s2;
	p2 =	seq.s32 @!p0 s5, $0x0  }
0x1f: {  	s9 =	smul.u32 $0xF7A, s1;
	s8 =	simm.s32 @!p0 $0x1BF5;
	p2 =	por !p2, p0  }
0x20: {  	[sflag:s8] =	ssyncset.s32 @!p0 $0xFFFFF086;
	s6 =	sadd.s32 @!p0 s3, s7;
	s7 =	simm.s32 @!p0 $0x108  }
0x21: {  	s3 =	sadd.s32 s3, s9;
	s6 =	sadd.s32 @!p0 $0x88, s6;
	s7 =	simm.s32 @p2 $0x1082  }
0x22: {  	[simem:s7], [sflag:s8] =	dma.local @!p0 [hbm:s6], $0xF7A  }
0x23: {  	s9 =	sor.u32 $0xD0000000, s2;
	s6 =	simm.s32 $0x108;
	_ =	swait.ge @!p0 [sflag:s8], $0x0  }
0x24: {  	s3 =	sadd.s32 $0x88, s3;
	s6 =	simm.s32 @!p1 $0x1082;
	[sflag:s4] =	ssyncset.s32 $0xFFFFF086  }
0x25: {  	[simem:s6], [sflag:s4] =	dma.local [hbm:s3], $0xF7A  }
0x26: {  	[smem:$0x3F9B] =	sst s1;
	(tag) =	ssettag s2;
	_ =	strace s9  }
0x27: {  	s1 =	sld [smem:$0x3FAB]  }
0x28: {  	s2 =	sld [smem:$0x3FAC]  }
0x29: {  	s4 =	sld [smem:$0x3FAE]  }
0x2a: {  	p0 =	seq.s32 s5, $0x0;
	s5 =	sld [smem:$0x3FAF]  }
0x2b: {  	s6 =	sld [smem:$0x3FB0]  }
0x2c: {  	s7 =	sld [smem:$0x3FB1]  }
0x2d: {  	s3 =	simm.s32 $0x108;
	s8 =	sld [smem:$0x3FB2]  }
0x2e: {  	s3 =	simm.s32 @!p0 $0x1082;
	s9 =	sld [smem:$0x3FB3]  }
0x2f: {  	lr =	sadd.s32 s0, s3;
	s0 =	sld [smem:$0x3FAA]  }
0x30: {  	s3 =	sld [smem:$0x3FAD]  }
0x31: {  	[smem:$0x3FB6] =	sst s10  }
0x32: {  	s10 =	sld [smem:$0x3FB4];
	_ =	sdelay $0x3  }
0x33: {  	p0 =	seq.s32 s10, $0x1;
	s10 =	sld [smem:$0x3FB6];
	_ =	sdelay $0x3  }
0x34: {  	[smem:$0x3FB6] =	sst s10  }
0x35: {  	s10 =	sld [smem:$0x3FB5];
	_ =	sdelay $0x3  }
0x36: {  	p1 =	seq.s32 s10, $0x1;
	s10 =	sld [smem:$0x3FB6];
	_ =	sdelay $0x3  }
0x37: {  	[smem:$0x3FB6] =	sst s10  }
0x38: {  	s10 =	sld [smem:$0x3FB7]  }
0x39: {  	_ = 	snop;
	(pc) =	sbr.ind lr, $3  }
0x3a: {  	_ = 	snop  }
0x3b: {  	_ = 	snop  }
0x3c: {  	p2 =	seq.s32 s10, $0x1;
	s10 =	sld [smem:$0x3FB6]  }
0x3d: {  	_ =	shalt  }
0x3e: {  	_ =	shalt  }
0x3f: {  	_ =	shalt  }
0x40: {  	_ =	shalt  }
0x41: {  	_ =	shalt  }
0x42: {  	_ =	shalt  }
0x43: {  	_ =	shalt  }
0x44: {  	_ =	shalt  }
0x45: {  	_ =	shalt  }
0x46: {  	_ =	shalt  }
0x47: {  	_ =	shalt  }
0x48: {  	_ =	shalt  }
0x49: {  	_ =	shalt  }
0x4a: {  	_ =	shalt  }
0x4b: {  	_ =	shalt  }
0x4c: {  	_ =	shalt  }
0x4d: {  	_ =	shalt  }
0x4e: {  	_ =	shalt  }
0x4f: {  	_ =	shalt  }
0x50: {  	_ =	shalt  }
0x51: {  	_ =	shalt  }
0x52: {  	_ =	shalt  }
0x53: {  	_ =	shalt  }
0x54: {  	_ =	shalt  }
0x55: {  	_ =	shalt  }
0x56: {  	_ =	shalt  }
0x57: {  	_ =	shalt  }
0x58: {  	_ =	shalt  }
0x59: {  	_ =	shalt  }
0x5a: {  	_ =	shalt  }
0x5b: {  	_ =	shalt  }
0x5c: {  	_ =	shalt  }
0x5d: {  	_ =	shalt  }
0x5e: {  	_ =	shalt  }
0x5f: {  	_ =	shalt  }
0x60: {  	_ =	shalt  }
0x61: {  	_ =	shalt  }
0x62: {  	_ =	shalt  }
0x63: {  	_ =	shalt  }
0x64: {  	_ =	shalt  }
0x65: {  	_ =	shalt  }
0x66: {  	_ =	shalt  }
0x67: {  	_ =	shalt  }
0x68: {  	_ =	shalt  }
0x69: {  	_ =	shalt  }
0x6a: {  	_ =	shalt  }
0x6b: {  	_ =	shalt  }
0x6c: {  	_ =	shalt  }
0x6d: {  	_ =	shalt  }
0x6e: {  	_ =	shalt  }
0x6f: {  	_ =	shalt  }
0x70: {  	_ =	shalt  }
0x71: {  	_ =	shalt  }
0x72: {  	_ =	shalt  }
0x73: {  	_ =	shalt  }
0x74: {  	_ =	shalt  }
0x75: {  	_ =	shalt  }
0x76: {  	_ =	shalt  }
0x77: {  	_ =	shalt  }
0x78: {  	_ =	shalt  }
0x79: {  	_ =	shalt  }
0x7a: {  	_ =	shalt  }
0x7b: {  	_ =	shalt  }
0x7c: {  	_ =	shalt  }
0x7d: {  	_ =	shalt  }
0x7e: {  	_ =	shalt  }
0x7f: {  	_ =	shalt  }
0x80: {  	_ =	shalt  }
0x81: {  	_ =	shalt  }
0x82: {  	_ =	shalt  }
0x83: {  	_ =	shalt  }
0x84: {  	_ =	shalt  }
0x85: {  	_ =	shalt  }
0x86: {  	_ =	shalt  }
0x87: {  	_ =	shalt  }
.Lfunc_end0:
.L_simem_size_0:
called_computation_lowered:
.L_overlay_start_0:
0x88: {  	s2 =	sld [smem:$0x3FD9]  }
0x89: {  	s3 =	sld [smem:$0x3FFE];
	_ =	sdelay $0x1  }
0x8a: {  	s1 =	srdreg.scid  }
0x8b: {  	s0 =	sand.u32 $0x1, s1  }
0x8c: {  	s17 =	sshll.u32 s0, $0xA;
	s2 =	sadd.s32 s3, s2  }
0x8d: {  	s2 =	sadd.s32 s2, s17  }
0x8e: {  	[smem:$0x3FC2] =	sst s2  }
0x8f: {  	_ = 	snop  }
0x90: {  	s2 =	sld [smem:$0x3FC9]  }
0x91: {  	s18 =	sld [smem:$0x3FC8]  }
0x92: {  	s4 =	sld [smem:$0x3FD0];
	(tm) =	ssettm $0x1  }
0x93: {  	s5 =	sld [smem:$0x3FFB];
	_ =	sdelay $0x3  }
0x94: {  	_ =	strace s5  }
0x95: {  	s5 =	sld [smem:$0x3FFC];
	_ =	sdelay $0x3  }
0x96: {  	_ =	strace s5  }
0x97: {  	s5 =	sld [smem:$0x3FFD];
	_ =	sdelay $0x3  }
0x98: {  	_ =	strace s5  }
0x99: {  	_ =	strace $0x8FFFFFFF  }
0x9a: {  	s19 =	sld [smem:$0x3FDB];
	_ =	sdelay $0x1  }
0x9b: {  	s6 =	simm.s32 $_scs_section_size  }
0x9c: {  	s7 =	simm.s32 $_size__tile_overlayer_lowered;
	s8 =	simm.s32 $_tile_overlayer_lowered  }
0x9d: {  	s22 =	simm.s32 $0x1BFF;
	s21 =	sshll.u32 s8, $0x1;
	s5 =	sadd.s32 s6, s19  }
0x9e: {  	s9 =	simm.s32 $0x0;
	s20 =	sshll.u32 s7, $0x1;
	s7 =	sadd.s32 s21, s5  }
0x9f: {  	[timem:s9], [sflag:s22] =	dma.local [hbm:s7], s20  }
0xa0: {  	_ =	swait.ge [sflag:s22], s20  }
0xa1: {  	s6 =	ssub.s32 $0x0, s20;
	[sflag:s22] =	ssyncset.done $0x0  }
0xa2: {  	[sflag:s22] =	ssyncadd.s32 s6;
	_ =	sdelay $0x1  }
0xa3: {  	s23 =	simm.s32 $0x1B8B  }
0xa4: {  	_ =	swait.ge [sflag:s23], $0x1  }
0xa5: {  	[sflag:s23] =	ssyncset.done $0x0  }
0xa6: {  	s25 =	simm.s32 $0x1B8E;
	s24 =	sld [smem:$0x3FFE];
	[sflag:s23] =	ssyncadd.s32 $0xFFFFFFFF  }
0xa7: {  	s26 =	simm.s32 $execute0_lowered;
	[smem:$0x3FD2] =	sst s25  }
0xa8: {  	s7 =	sshll.u32 s26, $0x1;
	_ =	strace $0x80000046;
	[dreg:$0x1] =	wrdreg $0xFFFFFFFF  }
0xa9: {  	s28 =	simm.s32 $_size_execute0_lowered;
	s5 =	sadd.s32 s5, s7;
	[dreg:$0x0] =	wrdreg $0x0  }
0xaa: {  	s7 =	sshll.u32 s28, $0x1;
	[dreg:$0x2] =	wrdreg s5  }
0xab: {  	[dreg:$0x3] =	wrdreg s7  }
0xac: {  	[dreg:$0x4] =	wrdreg $0xC0  }
0xad: {  	_ =	task [dreg:s9], $0x5FFFF  }
0xae: {  	[dreg:$0x1] =	wrdreg $0xFFFFFFFF  }
0xaf: {  	[dreg:$0x0] =	wrdreg $0x60  }
0xb0: {  	[dreg:$0x2] =	wrdreg s2  }
0xb1: {  	[dreg:$0x3] =	wrdreg s18  }
0xb2: {  	[dreg:$0x4] =	wrdreg s24  }
0xb3: {  	[dreg:$0x5] =	wrdreg s4  }
0xb4: {  	[dreg:$0x6] =	wrdreg $0x9  }
0xb5: {  	_ =	task.clear_ibuf [dreg:s9], $0x7FFFF;
	_ =	strace $0x90000046  }
0xb6: {  	s29 =	simm.s32 $0x9;
	_ =	strace $0x80000048  }
0xb7: {  	_ =	swait.ge [sflag:s29], $0x1  }
0xb8: {  	[sflag:s29] =	ssyncadd.s32 $0xFFFFFFFF  }
0xb9: {  	_ =	strace $0x90000048  }
0xba: {  	_ =	sfence  }
0xbb: {  	s30 =	sld [smem:$0x0];
	_ =	sdelay $0x2  }
0xbc: {  	s31 =	sshll.u32 s1, $0xD;
	s1 =	sshrl.u32 s1, $0x2  }
0xbd: {  	s3 =	sand.u32 $0x4000, s31;
	s1 =	sadd.s32 s1, s30  }
0xbe: {  	s0 =	sor.u32 s3, s0;
	s1 =	sshll.u32 s1, $0x11  }
0xbf: {  	s0 =	sor.u32 s1, s0  }
0xc0: {  	s0 =	sadd.s32 $0x8F2B, s0  }
0xc1: {  	[sflag:s0] =	ssyncadd.remote.s32 $0x1  }
0xc2: {  	_ =	sfence.sel $0xFFFF  }
0xc3: {  	[dreg:$0x0] =	wrdreg $0xFFFFFFFF;
	(pc) =	sbr.abs _section_cstart, $3  }
0xc4: {  	[dreg:$0x1] =	wrdreg $0xFFFFFFFF  }
0xc5: {  	_ =	task.clear_ibuf [dreg:s9], $0x2FFFF;
	_ =	strace $0x9FFFFFFF  }
0xc6: {  	(tm) =	ssettm $0x7FFFFFFF  }
0xc7: {  	_ =	shalt  }
tec
execute0_lowered:
.L_overlay_start_1:
0x0: {  	(tag) =	ssettag $0x1  }
0x1: {  	s0 =	rddreg [dreg:$0x0]  }
0x2: {  	s3 =	rddreg [dreg:$0x1]  }
0x3: {  	s1 =	rddreg [dreg:$0x2]  }
0x4: {  	s9 =	rddreg [dreg:$0x3]  }
0x5: {  	s2 =	simm.s32 $0x0;
	s5 =	srdreg.scid;
	s6 =	stileid.u32  }
0x6: {  	s12 =	simm.s32 $0x200;
	s13 =	simm.s32 $0x80;
	s19 =	simm.s32 $0x280  }
0x7: {  	s23 =	simm.s32 $0x100;
	s25 =	simm.s32 $0x300;
	s28 =	simm.s32 $0x10500  }
0x8: {  	s29 =	simm.s32 $0x10700;
	s30 =	simm.s32 $0x180;
	s31 =	simm.s32 $0x6400  }
0x9: {  	vm0 =	vmmov $0x1;
	s14 =	simm.s32 $0x10580;
	s15 =	simm.s32 $0x10780;
	s16 =	simm.s32 $0x1  }
0xa: {  	vm1 =	vcmask $0x30C;
	vm2 =	vcmask $0xF0C;
	vm3 =	vcmask $0x714;
	s17 =	simm.s32 $0x10800;
	s18 =	simm.s32 $0x0;
	[smem:$0x7FF] =	sst s2  }
0xb: {  	vm4 =	vcmask $0xF18;
	vm5 =	vcmask $0x131C;
	vm6 =	vcmask $0x1F1C;
	s4 =	sadd.s32 $0xF42400, s1;
	s5 =	sand.u32 $0x1, s5;
	s6 =	sshll.u32 s6, $0x7  }
0xc: {  	vm7 =	vcmask $0x1724;
	vm8 =	vcmask $0x1F28;
	vm9 =	vcmask $0x232C;
	_ =	strace $0x80000047;
	s7 =	ssub.s32 $0x2, s5;
	s8 =	sshll.u32 s5, $0x6  }
0xd: {  	vm10 =	vcmask $0x2F2C;
	vm11 =	vcmask $0x2734;
	vm12 =	vcmask $0x2F38;
	s5 =	sadd.s32 $0x16E3600, s1;
	s10 =	sshrl.u32 s7, $0x1;
	s11 =	sor.u32 s8, s6  }
0xe: {  	vm13 =	vcmask $0x333C;
	vm14 =	vmmov $0x3fff;
	vm15 =	vmmov $0x7fff;
	s6 =	sadd.s32 $0x1EA00, s1;
	s10 =	ssub.s32 s7, s10;
	s7 =	sadd.s32 s0, s11  }
0xf: {  	vm2 =	vmor vm3, vm2;
	vm3 =	vcmask $0xB14;
	vm6 =	vmor vm7, vm6;
	s8 =	sadd.s32 s3, s11;
	s9 =	sadd.s32 s9, s11;
	s11 =	simm.s32 $0x2  }
0x10: {  	vm7 =	vcmask $0x1B24;
	vm10 =	vmor vm11, vm10;
	vm11 =	vcmask $0x2B34;
	s0 =	simm.s32 $0x380;
	s3 =	simm.s32 $0xE400;
	s10 =	smax.u32 s10, $0x1  }
.LBB2_1:
0x11: {  	[tilespmem:s2], [sflag:$0x2] =	stream.linear.gather [hbm4b:s7+s2], $0x200, $0x38;
	[tilespmem:$0x10A00] =	vst v63  }
0x12: {  	_ =	swait.ge [sflag:s11], $0x200  }
0x13: {  	[sflag:s11] =	ssyncset.done $0x0  }
0x14: {  	[sflag:s11] =	ssyncadd.s32 $0xFFFFFE00  }
0x15: {  	[tilespmem:s12], [sflag:$0x2] =	stream.linear.gather [hbm4b:s8+s2], $0x200, $0x38;
	[tilespmem:$0x10A00] =	vst v63  }
0x16: {  	_ =	swait.ge [sflag:s11], $0x200  }
0x17: {  	[sflag:s11] =	ssyncset.done $0x0  }
0x18: {  	s20 =	simm.s32 $0x400;
	[sflag:s11] =	ssyncadd.s32 $0xFFFFFE00  }
0x19: {  	[tilespmem:s20], [sflag:$0x1] =	stream.indirect.gather [hbm4b:s4+s13], $0x40, s2, s13, $0xb8;
	[tilespmem:$0x10A00] =	vst v63  }
0x1a: {  	s26 =	simm.s32 $0x8400  }
0x1b: {  	[tilespmem:s26], [sflag:$0x1] =	stream.indirect.gather [hbm4b:s5+s13], $0x40, s12, s13, $0xb8;
	[tilespmem:$0x10A00] =	vst v63  }
0x1c: {  	s21 =	simm.s32 $0x10400  }
0x1d: {  	[tilespmem:s21], [sflag:$0x1] =	stream.indirect.gather [hbm4b:s1+s13], $0x1, s2, s13, $0xb8;
	[tilespmem:$0x10A00] =	vst v63  }
0x1e: {  	s22 =	simm.s32 $0x10600  }
0x1f: {  	[tilespmem:s22], [sflag:$0x1] =	stream.indirect.gather [hbm4b:s6+s13], $0x1, s12, s13, $0xb8;
	[tilespmem:$0x10A00] =	vst v63  }
0x20: {  	s24 =	simm.s32 $0x2400  }
0x21: {  	[tilespmem:s24], [sflag:$0x1] =	stream.indirect.gather [hbm4b:s4+s13], $0x40, s13, s13, $0xb8;
	[tilespmem:$0x10A00] =	vst v63  }
0x22: {  	s26 =	simm.s32 $0xA400  }
0x23: {  	[tilespmem:s26], [sflag:$0x1] =	stream.indirect.gather [hbm4b:s5+s13], $0x40, s19, s13, $0xb8;
	[tilespmem:$0x10A00] =	vst v63  }
0x24: {  	s21 =	simm.s32 $0x10480  }
0x25: {  	[tilespmem:s21], [sflag:$0x1] =	stream.indirect.gather [hbm4b:s1+s13], $0x1, s13, s13, $0xb8;
	[tilespmem:$0x10A00] =	vst v63  }
0x26: {  	s22 =	simm.s32 $0x10680  }
0x27: {  	[tilespmem:s22], [sflag:$0x1] =	stream.indirect.gather [hbm4b:s6+s13], $0x1, s19, s13, $0xb8;
	[tilespmem:$0x10A00] =	vst v63  }
0x28: {  	s24 =	simm.s32 $0x4400  }
0x29: {  	[tilespmem:s24], [sflag:$0x1] =	stream.indirect.gather [hbm4b:s4+s13], $0x40, s23, s13, $0xb8;
	[tilespmem:$0x10A00] =	vst v63  }
0x2a: {  	s26 =	simm.s32 $0xC400  }
0x2b: {  	[tilespmem:s26], [sflag:$0x1] =	stream.indirect.gather [hbm4b:s5+s13], $0x40, s25, s13, $0xb8;
	[tilespmem:$0x10A00] =	vst v63  }
0x2c: {  	_ = 	snop  }
0x2d: {  	[tilespmem:s28], [sflag:$0x1] =	stream.indirect.gather [hbm4b:s1+s13], $0x1, s23, s13, $0xb8;
	[tilespmem:$0x10A00] =	vst v63  }
0x2e: {  	_ = 	snop  }
0x2f: {  	[tilespmem:s29], [sflag:$0x1] =	stream.indirect.gather [hbm4b:s6+s13], $0x1, s25, s13, $0xb8;
	[tilespmem:$0x10A00] =	vst v63  }
0x30: {  	_ = 	snop  }
0x31: {  	[tilespmem:s31], [sflag:$0x1] =	stream.indirect.gather [hbm4b:s4+s13], $0x40, s30, s13, $0xb8;
	[tilespmem:$0x10A00] =	vst v63  }
0x32: {  	_ = 	snop  }
0x33: {  	[tilespmem:s3], [sflag:$0x1] =	stream.indirect.gather [hbm4b:s5+s13], $0x40, s0, s13, $0xb8;
	[tilespmem:$0x10A00] =	vst v63  }
0x34: {  	_ = 	snop  }
0x35: {  	[tilespmem:s14], [sflag:$0x1] =	stream.indirect.gather [hbm4b:s1+s13], $0x1, s30, s13, $0xb8;
	[tilespmem:$0x10A00] =	vst v63  }
0x36: {  	_ = 	snop  }
0x37: {  	[tilespmem:s15], [sflag:$0x1] =	stream.indirect.gather [hbm4b:s6+s13], $0x1, s0, s13, $0xb8;
	[tilespmem:$0x10A00] =	vst v63  }
0x38: {  	_ =	swait.ge [sflag:s16], $0x2000  }
0x39: {  	[sflag:s16] =	ssyncset.done $0x0  }
0x3a: {  	[sflag:s16] =	ssyncadd.s32 $0xFFFFE000  }
0x3b: {  	_ =	swait.ge [sflag:s16], $0x2000  }
0x3c: {  	[sflag:s16] =	ssyncset.done $0x0  }
0x3d: {  	[sflag:s16] =	ssyncadd.s32 $0xFFFFE000  }
0x3e: {  	_ =	swait.ge [sflag:s16], $0x80  }
0x3f: {  	[sflag:s16] =	ssyncset.done $0x0  }
0x40: {  	[sflag:s16] =	ssyncadd.s32 $0xFFFFFF80  }
0x41: {  	_ =	swait.ge [sflag:s16], $0x80  }
0x42: {  	[sflag:s16] =	ssyncset.done $0x0  }
0x43: {  	[sflag:s16] =	ssyncadd.s32 $0xFFFFFF80  }
0x44: {  	_ =	swait.ge [sflag:s16], $0x2000  }
0x45: {  	[sflag:s16] =	ssyncset.done $0x0  }
0x46: {  	[sflag:s16] =	ssyncadd.s32 $0xFFFFE000  }
0x47: {  	_ =	swait.ge [sflag:s16], $0x2000  }
0x48: {  	[sflag:s16] =	ssyncset.done $0x0  }
0x49: {  	[sflag:s16] =	ssyncadd.s32 $0xFFFFE000  }
0x4a: {  	_ =	swait.ge [sflag:s16], $0x80  }
0x4b: {  	[sflag:s16] =	ssyncset.done $0x0  }
0x4c: {  	[sflag:s16] =	ssyncadd.s32 $0xFFFFFF80  }
0x4d: {  	_ =	swait.ge [sflag:s16], $0x80  }
0x4e: {  	[sflag:s16] =	ssyncset.done $0x0  }
0x4f: {  	[sflag:s16] =	ssyncadd.s32 $0xFFFFFF80  }
0x50: {  	_ =	swait.ge [sflag:s16], $0x2000  }
0x51: {  	[sflag:s16] =	ssyncset.done $0x0  }
0x52: {  	[sflag:s16] =	ssyncadd.s32 $0xFFFFE000  }
0x53: {  	_ =	swait.ge [sflag:s16], $0x2000  }
0x54: {  	[sflag:s16] =	ssyncset.done $0x0  }
0x55: {  	[sflag:s16] =	ssyncadd.s32 $0xFFFFE000  }
0x56: {  	_ =	swait.ge [sflag:s16], $0x80  }
0x57: {  	[sflag:s16] =	ssyncset.done $0x0  }
0x58: {  	[sflag:s16] =	ssyncadd.s32 $0xFFFFFF80  }
0x59: {  	_ =	swait.ge [sflag:s16], $0x80  }
0x5a: {  	[sflag:s16] =	ssyncset.done $0x0  }
0x5b: {  	[sflag:s16] =	ssyncadd.s32 $0xFFFFFF80  }
0x5c: {  	_ =	swait.ge [sflag:s16], $0x2000  }
0x5d: {  	[sflag:s16] =	ssyncset.done $0x0  }
0x5e: {  	[sflag:s16] =	ssyncadd.s32 $0xFFFFE000  }
0x5f: {  	_ =	swait.ge [sflag:s16], $0x2000  }
0x60: {  	[sflag:s16] =	ssyncset.done $0x0  }
0x61: {  	[sflag:s16] =	ssyncadd.s32 $0xFFFFE000  }
0x62: {  	_ =	swait.ge [sflag:s16], $0x80  }
0x63: {  	[sflag:s16] =	ssyncset.done $0x0  }
0x64: {  	[sflag:s16] =	ssyncadd.s32 $0xFFFFFF80  }
0x65: {  	_ =	swait.ge [sflag:s16], $0x80  }
0x66: {  	[sflag:s16] =	ssyncset.done $0x0  }
0x67: {  	s20 =	simm.s32 $0x600;
	[sflag:s16] =	ssyncadd.s32 $0xFFFFFF80  }
0x68: {  	v0 =	vld [tilespmem:s20+$0x190]  }
0x69: {  	s21 =	simm.s32 $0x8600;
	v23 =	vld [tilespmem:s20+$0xFFFFFE10]  }
0x6a: {  	v24 =	vld [tilespmem:s21+$0xFFFFFE10]  }
0x6b: {  	v22 =	vld [tilespmem:s20+$0xB0]  }
0x6c: {  	v25 =	vld [tilespmem:s21+$0xF0]  }
0x6d: {  	v26 =	vld [tilespmem:s20+$0xF0]  }
0x6e: {  	v27 =	vld [tilespmem:s21+$0xE0]  }
0x6f: {  	v28 =	vld [tilespmem:s20+$0xE0]  }
0x70: {  	v29 =	vld [tilespmem:s21+$0xD0]  }
0x71: {  	[tilespmem:$0x1FFD0] =	vst v0;
	v0 =	vld [tilespmem:s21+$0x190]  }
0x72: {  	v30 =	vld [tilespmem:s20+$0xD0]  }
0x73: {  	v31 =	vld [tilespmem:s21+$0xC0]  }
0x74: {  	v32 =	vld [tilespmem:s20+$0xC0]  }
0x75: {  	v33 =	vld [tilespmem:s21+$0xB0]  }
0x76: {  	[tilespmem:$0x1FFE0] =	vst v0;
	v0 =	vld [tilespmem:s21+$0x180]  }
0x77: {  	v34 =	vld [tilespmem:s21+$0xA0]  }
0x78: {  	v35 =	vld [tilespmem:s20+$0xA0]  }
0x79: {  	v36 =	vld [tilespmem:s21+$0x90]  }
0x7a: {  	v37 =	vld [tilespmem:s20+$0x90]  }
0x7b: {  	[tilespmem:$0x1FFF0] =	vst v0;
	v0 =	vld [tilespmem:s21+$0x100]  }
0x7c: {  	v38 =	vld [tilespmem:s21+$0x80]  }
0x7d: {  	v39 =	vld [tilespmem:s20+$0x80]  }
0x7e: {  	v18 =	vld [tilespmem:s20+$0x50]  }
0x7f: {  	v19 =	vld [tilespmem:s21+$0x10]  }
0x80: {  	[tilespmem:$0x1FF90] =	vst v0;
	v0 =	vld [tilespmem:s20+$0x70]  }
0x81: {  	v20 =	vld [tilespmem:s20+$0x10]  }
0x82: {  	v40 =	vld [tilespmem:s21+$0xFFFFFFF0]  }
0x83: {  	v41 =	vld [tilespmem:s20+$0xFFFFFFF0]  }
0x84: {  	v42 =	vld [tilespmem:s21+$0xFFFFFFE0]  }
0x85: {  	[tilespmem:$0x1FF70] =	vst v0;
	v0 =	vld [tilespmem:s21+$0x160]  }
0x86: {  	v43 =	vld [tilespmem:s20+$0xFFFFFFE0]  }
0x87: {  	v44 =	vld [tilespmem:s21+$0xFFFFFFD0]  }
0x88: {  	v45 =	vld [tilespmem:s20+$0xFFFFFFD0]  }
0x89: {  	v46 =	vld [tilespmem:s21+$0xFFFFFFC0]  }
0x8a: {  	[tilespmem:$0x1FFB0] =	vst v0;
	v0 =	vld [tilespmem:s21+$0x120]  }
0x8b: {  	v47 =	vld [tilespmem:s20+$0xFFFFFFC0]  }
0x8c: {  	v21 =	vld [tilespmem:s21+$0xFFFFFF70]  }
0x8d: {  	v48 =	vld [tilespmem:s21+$0xFFFFFFB0]  }
0x8e: {  	v49 =	vld [tilespmem:s20+$0xFFFFFFB0]  }
0x8f: {  	[tilespmem:$0x1FFC0] =	vst v0;
	v0 =	vld [tilespmem:s21+$0x150]  }
0x90: {  	v50 =	vld [tilespmem:s21+$0xFFFFFFA0]  }
0x91: {  	v51 =	vld [tilespmem:s20+$0xFFFFFFA0]  }
0x92: {  	v52 =	vld [tilespmem:s21+$0xFFFFFF90]  }
0x93: {  	v53 =	vld [tilespmem:s20+$0xFFFFFF90]  }
0x94: {  	[tilespmem:$0x1FF10] =	vst v0;
	v0 =	vld [tilespmem:s20+$0x150]  }
0x95: {  	v54 =	vld [tilespmem:s21+$0xFFFFFF80]  }
0x96: {  	v55 =	vld [tilespmem:s20+$0xFFFFFF80]  }
0x97: {  	v56 =	vld [tilespmem:s21+$0xFFFFFF30]  }
0x98: {  	v57 =	vld [tilespmem:s21+$0xFFFFFF60]  }
0x99: {  	[tilespmem:$0x1FF20] =	vst v0;
	v0 =	vld [tilespmem:s21+$0x140]  }
0x9a: {  	v58 =	vld [tilespmem:s21+$0xFFFFFF20]  }
0x9b: {  	v59 =	vld [tilespmem:s21+$0xFFFFFF50]  }
0x9c: {  	v60 =	vld [tilespmem:s20+$0xFFFFFF50]  }
0x9d: {  	v61 =	vld [tilespmem:s21+$0xFFFFFF40]  }
0x9e: {  	[tilespmem:$0x1FFA0] =	vst v0;
	v0 =	vld [tilespmem:s21+$0x110]  }
0x9f: {  	v62 =	vld [tilespmem:s21+$0xFFFFFF10]  }
0xa0: {  	v63 =	vld [tilespmem:s20+$0xFFFFFF10]  }
0xa1: {  	v15 =	vld [tilespmem:s21+$0xFFFFFEF0]  }
0xa2: {  	v14 =	vld [tilespmem:s20+$0xFFFFFEF0]  }
0xa3: {  	[tilespmem:$0x1FF50] =	vst v0;
	v0 =	vld [tilespmem:s20+$0x110]  }
0xa4: {  	v13 =	vld [tilespmem:s21+$0xFFFFFEE0]  }
0xa5: {  	v10 =	vld [tilespmem:s20+$0xFFFFFEE0]  }
0xa6: {  	v7 =	vld [tilespmem:s21+$0xFFFFFED0]  }
0xa7: {  	v6 =	vld [tilespmem:s20+$0xFFFFFED0]  }
0xa8: {  	[tilespmem:$0x1FF60] =	vst v0;
	v0 =	vld [tilespmem:s21+$0x70]  }
0xa9: {  	v5 =	vld [tilespmem:s21+$0xFFFFFEC0]  }
0xaa: {  	v4 =	vld [tilespmem:s20+$0xFFFFFEC0]  }
0xab: {  	v17 =	vld [tilespmem:s21+$0xFFFFFE70]  }
0xac: {  	v12 =	vld [tilespmem:s21+$0xFFFFFEB0]  }
0xad: {  	[tilespmem:$0x1FF80] =	vst v0;
	v0 =	vld [tilespmem:s21+$0x30]  }
0xae: {  	v11 =	vld [tilespmem:s20+$0xFFFFFEB0]  }
0xaf: {  	v9 =	vld [tilespmem:s21+$0xFFFFFEA0]  }
0xb0: {  	v8 =	vld [tilespmem:s20+$0xFFFFFEA0]  }
0xb1: {  	v3 =	vld [tilespmem:s21+$0xFFFFFE90]  }
0xb2: {  	[tilespmem:$0x1FF40] =	vst v0;
	v0 =	vld [tilespmem:s21+$0x60]  }
0xb3: {  	v2 =	vld [tilespmem:s20+$0xFFFFFE90]  }
0xb4: {  	v1 =	vld [tilespmem:s21+$0xFFFFFE80]  }
0xb5: {  	v16 =	vld [tilespmem:s21+$0xFFFFFE30]  }
0xb6: {  	v29 =	vmul.f32 v29, v30;
	v30 =	vmul.f32 v31, v32;
	v31 =	vld [tilespmem:s21+$0xFFFFFE60]  }
0xb7: {  	[tilespmem:$0x1FF30] =	vst v0;
	v0 =	vld [tilespmem:s21+$0x20]  }
0xb8: {  	v23 =	vmul.f32 v24, v23;
	v24 =	vmul.f32 v27, v28;
	v27 =	vld [tilespmem:s21+$0xFFFFFE20]  }
0xb9: {  	v25 =	vmul.f32 v25, v26;
	v26 =	vld [tilespmem:s21+$0xFFFFFE50]  }
0xba: {  	v4 =	vmul.f32 v5, v4;
	v5 =	vld [tilespmem:s20+$0xFFFFFE60]  }
0xbb: {  	v53 =	vmul.f32 v52, v53;
	v52 =	vmul.f32 v50, v51;
	v50 =	vld [tilespmem:s20+$0xFFFFFF20]  }
0xbc: {  	[tilespmem:$0x1FF00] =	vst v0;
	v0 =	vld [tilespmem:s21+$0x50]  }
0xbd: {  	v51 =	vld [tilespmem:s20+$0xFFFFFF60]  }
0xbe: {  	v32 =	vmul.f32 v38, v39;
	v38 =	vld [tilespmem:s20+$0x130]  }
0xbf: {  	v28 =	vadd.f32 v29, v30;
	v29 =	vmul.f32 v34, v35;
	v34 =	vld [tilespmem:s20+$0xFFFFFE50]  }
0xc0: {  	v6 =	vmul.f32 v7, v6;
	v30 =	vmul.f32 v36, v37;
	v36 =	vld [tilespmem:s21+$0xFFFFFE40]  }
0xc1: {  	[tilespmem:$0x1FEE0] =	vst v0;
	v0 =	vld [tilespmem:s21+$0x40]  }
0xc2: {  	v4 =	vadd.f32 v6, v4;
	v6 =	vld [tilespmem:s20+$0xFFFFFE70]  }
0xc3: {  	v35 =	vld [tilespmem:s21+$0x130]  }
0xc4: {  	v24 =	vadd.f32 v24, v28;
	v28 =	vmul.f32 v44, v45;
	v45 =	vld [tilespmem:s21+$0xFFFFFE00]  }
0xc5: {  	v44 =	vmul.f32 v54, v55;
	v54 =	vmul.f32 v40, v41;
	v41 =	vld [tilespmem:s20+$0xFFFFFE20]  }
0xc6: {  	v47 =	vmul.f32 v46, v47;
	[tilespmem:$0x1FEF0] =	vst v0;
	v0 =	vld [tilespmem:s20+$0xFFFFFE80]  }
0xc7: {  	v10 =	vmul.f32 v13, v10;
	v55 =	vmul.f32 v48, v49;
	v48 =	vld [tilespmem:s20+$0xFFFFFF40]  }
0xc8: {  	v46 =	vmul.f32 v42, v43;
	v30 =	vadd.f32 v30, v32;
	v40 =	vld [tilespmem:s20+$0x170]  }
0xc9: {  	v42 =	vmul.f32 v15, v14;
	v4 =	vadd.f32 v10, v4;
	v28 =	vadd.f32 v28, v47;
	v47 =	vld [tilespmem:s20+$0xFFFFFE00]  }
0xca: {  	v2 =	vmul.f32 v3, v2;
	v24 =	vadd.f32 v25, v24;
	v32 =	vadd.f32 v53, v44;
	v53 =	vld [tilespmem:s20+$0xFFFFFE40]  }
0xcb: {  	v29 =	vadd.f32 v29, v30;
	v4 =	vadd.f32 v42, v4;
	v42 =	vld [tilespmem:s21+$0x1A0];
	v0 =	vmul.f32 v1, v0  }
0xcc: {  	v25 =	vadd.f32 v46, v28;
	v30 =	vadd.f32 v52, v32;
	v52 =	vld [tilespmem:s20+$0xFFFFFF30]  }
0xcd: {  	v8 =	vmul.f32 v9, v8;
	v43 =	vmul.f32 v12, v11;
	v32 =	vld [tilespmem:s21+$0x170];
	v0 =	vadd.f32 v2, v0  }
0xce: {  	v46 =	vmul.f32 v26, v34;
	v7 =	vadd.f32 v54, v25;
	v3 =	vadd.f32 v55, v30;
	v55 =	vld [tilespmem:s20+$0x20]  }
0xcf: {  	(xrf2) =	vadd.scan.msk.f32 $0xffff, v24;
	v25 =	vld [tilespmem:s20+$0x120];
	v44 =	vmul.f32 v45, v47;
	v47 =	vmul.f32 v36, v53;
	v0 =	vadd.f32 v8, v0  }
0xd0: {  	v45 =	vld [tilespmem:s20+$0xFFFFFF00];
	(xrf2) =	vadd.scan.msk.f32 $0xffff, v7  }
0xd1: {  	v7 =	vadd.f32 v46, v47;
	(xrf2) =	vadd.scan.msk.f32 $0xffff, v3;
	v3 =	vmul.f32 v31, v5;
	v1 =	vld [tilespmem:s20+$0xFFFFFE30];
	v0 =	vadd.f32 v43, v0  }
0xd2: {  	v47 =	vld [tilespmem:$0x1FFE0];
	(xrf2) =	vadd.scan.msk.f32 $0xffff, v4  }
0xd3: {  	v4 =	vld [tilespmem:s20+$0xFFFFFF70];
	(xrf2) =	vadd.scan.msk.f32 $0xffff, v0;
	v0 =	vadd.f32 v3, v7;
	v3 =	vmul.f32 v17, v6  }
0xd4: {  	v22 =	vmul.f32 v33, v22;
	v49 =	vmul.f32 v27, v41;
	v10 =	vadd.f32 v23, v44;
	v39 =	vld [tilespmem:$0x1FF90]  }
0xd5: {  	v54 =	vmul.f32 v59, v60;
	v44 =	vld [tilespmem:$0x1FFC0];
	v0 =	vadd.f32 v3, v0;
	v3 =	vmul.f32 v61, v48  }
0xd6: {  	v5 =	vadd.f32 v49, v10;
	v26 =	vld [tilespmem:$0x1FF10];
	v1 =	vmul.f32 v16, v1  }
0xd7: {  	v53 =	vadd.f32 v22, v29;
	v27 =	vld [tilespmem:$0x1FF20];
	v8 =	vmul.f32 v57, v51;
	v3 =	vadd.f32 v54, v3  }
0xd8: {  	v2 =	vld [tilespmem:s21+$0xFFFFFF00];
	v1 =	vadd.f32 v1, v5  }
0xd9: {  	v4 =	vmul.f32 v21, v4;
	v6 =	vmul.f32 v62, v63;
	v62 =	vld [tilespmem:$0x1FEE0];
	(xrf2) =	vadd.scan.msk.f32 $0xffff, v53;
	v3 =	vadd.f32 v8, v3  }
0xda: {  	(xrf2) =	vadd.scan.msk.f32 $0xffff, v1;
	v1 =	vld [tilespmem:s20+$0x40]  }
0xdb: {  	v3 =	vadd.f32 v4, v3;
	v4 =	vld [tilespmem:$0x1FEF0]  }
0xdc: {  	v29 =	vld [tilespmem:$0x1FF30]  }
0xdd: {  	(xrf2) =	vadd.scan.msk.f32 $0xffff, v0;
	v0 =	vld [tilespmem:s20+$0x60]  }
0xde: {  	v33 =	vld [tilespmem:$0x1FF50]  }
0xdf: {  	v34 =	vld [tilespmem:$0x1FF60];
	v2 =	vmul.f32 v2, v45  }
0xe0: {  	v36 =	vld [tilespmem:$0x1FF80];
	v15 =	vmul.f32 v62, v18;
	v1 =	vmul.f32 v4, v1  }
0xe1: {  	v5 =	vld [tilespmem:s21+$0x0];
	v2 =	vadd.f32 v6, v2  }
0xe2: {  	v7 =	vld [tilespmem:s20+$0x0];
	v6 =	vmul.f32 v58, v50;
	v0 =	vmul.f32 v29, v0;
	v1 =	vadd.f32 v15, v1  }
0xe3: {  	v24 =	vld [tilespmem:$0x1FF00]  }
0xe4: {  	v2 =	vadd.f32 v6, v2;
	v6 =	vmul.f32 v56, v52;
	v0 =	vadd.f32 v0, v1;
	v1 =	vld [tilespmem:$0x1FF70]  }
0xe5: {  	v30 =	vld [tilespmem:$0x1FF40]  }
0xe6: {  	s24 =	simm.s32 $0x0;
	v10, _, _ =	vpop (xrf2);
	v57 =	vld [tilespmem:s20+$0x30];
	v2 =	vadd.f32 v6, v2  }
0xe7: {  	v59, _, _ =	vpop (xrf2);
	v58 =	vld [tilespmem:s24+$0x10600];
	v61 =	vmul.f32 v19, v20;
	v5 =	vmul.f32 v5, v7  }
0xe8: {  	v60, _, _ =	vpop (xrf2);
	v6 =	vld [tilespmem:s24+$0x10400];
	(xrf2) =	vadd.scan.msk.f32 $0xffff, v2  }
0xe9: {  	v11 =	vmul.f32 v24, v55;
	v63, _, _ =	vpop (xrf2);
	v7 =	vld [tilespmem:s20+$0x100];
	v5 =	vadd.f32 v61, v5;
	v1 =	vmul.f32 v36, v1  }
0xea: {  	v2 =	vld [tilespmem:s20+$0x140];
	(xrf2) =	vadd.scan.msk.f32 $0xffff, v3;
	v4, _, _ =	vpop (xrf2)  }
0xeb: {  	v9 =	vmul.f32 v30, v57;
	v5 =	vadd.f32 v11, v5;
	v28, _, _ =	vpop (xrf2);
	v0 =	vadd.f32 v1, v0;
	v1 =	vld [tilespmem:$0x1FFA0]  }
0xec: {  	v12 =	vmul.f32 v35, v38;
	v43 =	vld [tilespmem:$0x1FFB0];
	v17 =	vmul.f32 v26, v27;
	v31, _, _ =	vpop (xrf2)  }
0xed: {  	v3 =	vld [tilespmem:s20+$0x160];
	v6 =	vadd.f32 v58, v6;
	v5 =	vadd.f32 v9, v5;
	v11 =	vbroadcast v31, $0xF  }
0xee: {  	v49 =	vld [tilespmem:s21+$0x1B0];
	v19 =	vmul.f32 v33, v34;
	v7 =	vmul.f32 v39, v7;
	v37, _, _ =	vpop (xrf2)  }
0xef: {  	v41 =	vbroadcast v63, $0xF;
	v52 =	vld [tilespmem:$0x1FFF0];
	(xrf2) =	vadd.scan.msk.f32 $0xffff, v5;
	v9 =	vbroadcast v37, $0xF;
	v11 =	vadd.f32 v11, v6  }
0xf0: {  	v5 =	vadd.f32 v19, v7;
	v1 =	vmul.f32 v1, v2;
	v2 =	vbroadcast v4, $0xF;
	v4 =	vld [tilespmem:s20+$0x180]  }
0xf1: {  	v55 =	vld [tilespmem:s21+$0x1C0];
	v7 =	vsel vm0, v11, v6;
	v6 =	vadd.f32 v9, v6;
	v9 =	vmul.f32 v44, v25  }
0xf2: {  	v3 =	vmul.f32 v43, v3;
	v46, _, _ =	vpop (xrf2);
	(xrf2) =	vadd.scan.msk.f32 $0xffff, v0;
	v1 =	vadd.f32 v17, v1;
	v0 =	vadd.f32 v2, v7;
	v2 =	vld [tilespmem:$0x1FFD0]  }
0xf3: {  	v45 =	vld [tilespmem:s20+$0x1A0];
	v6 =	vsel vm1, v7, v6;
	v5 =	vadd.f32 v9, v5;
	v7 =	vbroadcast v46, $0xF  }
0xf4: {  	v51 =	vld [tilespmem:s20+$0x1B0];
	v50, _, _ =	vpop (xrf2);
	v11 =	vadd.f32 v41, v6;
	v0 =	vsel vm2, v6, v0;
	v1 =	vadd.f32 v3, v1  }
0xf5: {  	v53 =	vld [tilespmem:s20+$0x1C0];
	v3 =	vadd.f32 v7, v6;
	v6 =	vbroadcast v50, $0xF;
	v4 =	vmul.f32 v52, v4  }
0xf6: {  	v13 =	vbroadcast v59, $0xF;
	v48 =	vld [tilespmem:s20+$0x1D0];
	v8 =	vbroadcast v60, $0xF;
	v0 =	vsel vm3, v0, v11  }
0xf7: {  	v5 =	vadd.f32 v12, v5;
	v7 =	vld [tilespmem:s21+$0x1D0];
	v6 =	vadd.f32 v6, v0;
	v2 =	vmul.f32 v47, v2  }
0xf8: {  	v59 =	vld [tilespmem:s20+$0x1F0];
	v54 =	vmul.f32 v32, v40;
	v0 =	vsel vm4, v0, v3;
	v3 =	vmul.f32 v42, v45  }
0xf9: {  	v56 =	vld [tilespmem:s20+$0x1E0];
	(xrf2) =	vadd.scan.msk.f32 $0xffff, v5;
	v5 =	vsel vm5, v0, v6;
	v0 =	vadd.f32 v8, v0;
	v2 =	vadd.f32 v2, v4;
	v4, _, _ =	vpop (xrf2)  }
0xfa: {  	v1 =	vadd.f32 v54, v1;
	v6 =	vld [tilespmem:s21+$0x1E0];
	v57 =	vadd.f32 v13, v5;
	v4 =	vbroadcast v4, $0xF  }
0xfb: {  	v58 =	vld [tilespmem:s21+$0x1F0];
	v0 =	vsel vm6, v5, v0;
	v2 =	vadd.f32 v3, v2;
	v3 =	vmul.f32 v49, v51  }
0xfc: {  	v60, _, _ =	vpop (xrf2);
	(xrf2) =	vadd.scan.msk.f32 $0xffff, v1;
	v4 =	vadd.f32 v4, v5;
	v5 =	vmul.f32 v7, v48;
	v7 =	vmul.f32 v55, v53  }
0xfd: {  	v61 =	vbroadcast v60, $0xF;
	v2 =	vadd.f32 v3, v2  }
0xfe: {  	v62 =	vbroadcast v28, $0xF;
	v0 =	vsel vm7, v0, v57;
	v3 =	vadd.f32 v5, v7  }
0xff: {  	v5 =	vmul.f32 v6, v56;
	v4 =	vsel vm8, v0, v4;
	v0 =	vadd.f32 v61, v0;
	(xrf2) =	vadd.scan.msk.f32 $0xffff, v2  }
0x100: {  	v63 =	vmul.f32 v58, v59;
	v6 =	vbroadcast v10, $0xF  }
0x101: {  	v7 =	vadd.f32 v62, v4;
	v5 =	vadd.f32 v5, v3;
	v0 =	vsel vm9, v4, v0  }
0x102: {  	v2 =	vadd.f32 v6, v0  }
0x103: {  	s22 =	simm.s32 $0x40;
	v1, _, _ =	vpop (xrf2);
	v3 =	vsel vm10, v0, v7;
	v4 =	vadd.f32 v63, v5  }
.LBB2_2:
0x104: {  	p0 =	sne.s32 s22, $0x7C0;
	v2 =	vsel vm11, v3, v2;
	s21 =	sadd.s32 $0x400, s21;
	s20 =	sadd.s32 $0x400, s20  }
0x105: {  	s26 =	smov.u32 s22;
	s22 =	sadd.s32 $0x40, s22;
	(xrf2) =	vadd.scan.msk.f32 $0xffff, v4  }
0x106: {  	v3, _, _ =	vpop (xrf2);
	_ =	sdelay $0x2  }
0x107: {  	v1 =	vbroadcast v1, $0xF;
	v4, _, _ =	vpop (xrf2)  }
0x108: {  	v3 =	vbroadcast v3, $0xF;
	v4 =	vbroadcast v4, $0xF  }
0x109: {  	v0 =	vadd.f32 v1, v0  }
0x10a: {  	v1 =	vadd.f32 v3, v2  }
0x10b: {  	v0 =	vsel vm12, v2, v0  }
0x10c: {  	v1 =	vsel vm13, v0, v1;
	v0 =	vadd.f32 v4, v0  }
0x10d: {  	v2, _, _ =	vpop (xrf2)  }
0x10e: {  	v0 =	vsel vm14, v1, v0;
	v1 =	vadd.f32 v2, v1;
	_ =	sdelay $0x1  }
0x10f: {  	v0 =	vsel vm15, v0, v1  }
0x110: {  	[tilespmem:s24+$0x10800] =	vst v0  }
0x111: {  	v2 =	vld [tilespmem:s20+$0x190]  }
0x112: {  	v3 =	vld [tilespmem:s21+$0x190]  }
0x113: {  	v0 =	vld [tilespmem:s20+$0x1E0]  }
0x114: {  	v1 =	vld [tilespmem:s21+$0x180]  }
0x115: {  	v7 =	vld [tilespmem:s20+$0xFFFFFE10]  }
0x116: {  	v6 =	vld [tilespmem:s21+$0x100]  }
0x117: {  	v8 =	vld [tilespmem:s20+$0x70]  }
0x118: {  	v5 =	vld [tilespmem:s21+$0x160]  }
0x119: {  	v9 =	vld [tilespmem:s21+$0xFFFFFE10]  }
0x11a: {  	v4 =	vld [tilespmem:s21+$0x120]  }
0x11b: {  	v10 =	vld [tilespmem:s20+$0xB0]  }
0x11c: {  	v14 =	vld [tilespmem:s21+$0xF0]  }
0x11d: {  	v11 =	vld [tilespmem:s21+$0x150]  }
0x11e: {  	v16 =	vmul.f32 v9, v7;
	v7 =	vld [tilespmem:s20+$0x150]  }
0x11f: {  	v9 =	vld [tilespmem:s21+$0x140]  }
0x120: {  	v12 =	vld [tilespmem:s21+$0x110]  }
0x121: {  	v13 =	vld [tilespmem:s20+$0x110]  }
0x122: {  	v15 =	vld [tilespmem:s20+$0xF0]  }
0x123: {  	v17 =	vld [tilespmem:s21+$0xE0];
	v7 =	vmul.f32 v11, v7  }
0x124: {  	v18 =	vld [tilespmem:s20+$0xE0]  }
0x125: {  	v19 =	vld [tilespmem:s21+$0xD0]  }
0x126: {  	v20 =	vld [tilespmem:s20+$0xD0];
	v11 =	vmul.f32 v12, v13  }
0x127: {  	v13 =	vld [tilespmem:s21+$0xC0]  }
0x128: {  	v21 =	vld [tilespmem:s20+$0xC0]  }
0x129: {  	v12 =	vld [tilespmem:s21+$0x70];
	v17 =	vmul.f32 v17, v18  }
0x12a: {  	v18 =	vld [tilespmem:s21+$0xB0]  }
0x12b: {  	v22 =	vld [tilespmem:s21+$0xA0];
	v19 =	vmul.f32 v19, v20  }
0x12c: {  	v20 =	vld [tilespmem:s20+$0xA0]  }
0x12d: {  	v23 =	vld [tilespmem:s21+$0x90];
	v13 =	vmul.f32 v13, v21  }
0x12e: {  	v21 =	vld [tilespmem:s20+$0x90]  }
0x12f: {  	v24 =	vld [tilespmem:s21+$0x80];
	v19 =	vadd.f32 v19, v13  }
0x130: {  	v25 =	vld [tilespmem:s20+$0x80]  }
0x131: {  	v13 =	vld [tilespmem:s21+$0x30];
	v20 =	vmul.f32 v22, v20;
	v17 =	vadd.f32 v17, v19;
	v19 =	vmul.f32 v14, v15  }
0x132: {  	v14 =	vld [tilespmem:s21+$0x60]  }
0x133: {  	v15 =	vld [tilespmem:s21+$0x20];
	v21 =	vmul.f32 v23, v21;
	v17 =	vadd.f32 v19, v17  }
0x134: {  	v19 =	vld [tilespmem:s21+$0x50]  }
0x135: {  	v22 =	vld [tilespmem:s20+$0x50];
	v23 =	vmul.f32 v24, v25;
	(xrf2) =	vadd.scan.msk.f32 $0xffff, v17  }
0x136: {  	v17 =	vld [tilespmem:s21+$0x40]  }
0x137: {  	v24 =	vld [tilespmem:s21+$0x10];
	v21 =	vadd.f32 v21, v23  }
0x138: {  	v25 =	vld [tilespmem:s20+$0x10]  }
0x139: {  	v10 =	vmul.f32 v18, v10;
	v26 =	vld [tilespmem:s21+$0xFFFFFFF0];
	v20 =	vadd.f32 v20, v21  }
0x13a: {  	v21 =	vld [tilespmem:s20+$0xFFFFFFF0];
	v18 =	vmul.f32 v19, v22  }
0x13b: {  	v19 =	vld [tilespmem:s21+$0xFFFFFFE0];
	v23 =	vadd.f32 v10, v20  }
0x13c: {  	v22 =	vld [tilespmem:s20+$0xFFFFFFE0]  }
0x13d: {  	v27 =	vld [tilespmem:s21+$0xFFFFFFD0];
	v20 =	vmul.f32 v24, v25  }
0x13e: {  	v24 =	vld [tilespmem:s20+$0xFFFFFFD0]  }
0x13f: {  	v25 =	vld [tilespmem:s21+$0xFFFFFFC0];
	v26 =	vmul.f32 v26, v21;
	v10, _, _ =	vpop (xrf2)  }
0x140: {  	v28 =	vld [tilespmem:s20+$0xFFFFFFC0]  }
0x141: {  	v21 =	vld [tilespmem:s21+$0xFFFFFF70];
	v19 =	vmul.f32 v19, v22  }
0x142: {  	v22 =	vld [tilespmem:s21+$0xFFFFFFB0]  }
0x143: {  	v29 =	vld [tilespmem:s20+$0xFFFFFFB0];
	v24 =	vmul.f32 v27, v24  }
0x144: {  	v27 =	vld [tilespmem:s21+$0xFFFFFFA0]  }
0x145: {  	v30 =	vld [tilespmem:s20+$0xFFFFFFA0];
	v25 =	vmul.f32 v25, v28  }
0x146: {  	v28 =	vld [tilespmem:s21+$0xFFFFFF90]  }
0x147: {  	v31 =	vld [tilespmem:s20+$0xFFFFFF90];
	v24 =	vadd.f32 v24, v25  }
0x148: {  	v32 =	vld [tilespmem:s21+$0xFFFFFF80];
	v22 =	vmul.f32 v22, v29  }
0x149: {  	v29 =	vld [tilespmem:s20+$0xFFFFFF80];
	v19 =	vadd.f32 v19, v24  }
0x14a: {  	v24 =	vld [tilespmem:s21+$0xFFFFFF30];
	v27 =	vmul.f32 v27, v30  }
0x14b: {  	v25 =	vld [tilespmem:s21+$0xFFFFFF60];
	v19 =	vadd.f32 v26, v19  }
0x14c: {  	v26 =	vld [tilespmem:s21+$0xFFFFFF20];
	v28 =	vmul.f32 v28, v31  }
0x14d: {  	v30 =	vld [tilespmem:s21+$0xFFFFFF50];
	(xrf2) =	vadd.scan.msk.f32 $0xffff, v19  }
0x14e: {  	v19 =	vld [tilespmem:s20+$0xFFFFFF50];
	v29 =	vmul.f32 v32, v29  }
0x14f: {  	v31 =	vld [tilespmem:s21+$0xFFFFFF40]  }
0x150: {  	v32 =	vld [tilespmem:s21+$0xFFFFFF10];
	v28 =	vadd.f32 v28, v29  }
0x151: {  	v29 =	vld [tilespmem:s20+$0xFFFFFF10]  }
0x152: {  	v33 =	vld [tilespmem:s21+$0xFFFFFEF0];
	v27 =	vadd.f32 v27, v28  }
0x153: {  	v28 =	vld [tilespmem:s20+$0xFFFFFEF0];
	v30 =	vmul.f32 v30, v19  }
0x154: {  	v34 =	vld [tilespmem:s21+$0xFFFFFEE0];
	v35 =	vadd.f32 v22, v27  }
0x155: {  	v22 =	vld [tilespmem:s20+$0xFFFFFEE0]  }
0x156: {  	v27 =	vld [tilespmem:s21+$0xFFFFFED0];
	v29 =	vmul.f32 v32, v29;
	(xrf2) =	vadd.scan.msk.f32 $0xffff, v35  }
0x157: {  	v32 =	vld [tilespmem:s20+$0xFFFFFED0];
	v19, _, _ =	vpop (xrf2)  }
0x158: {  	v35 =	vld [tilespmem:s21+$0xFFFFFEC0];
	v28 =	vmul.f32 v33, v28  }
0x159: {  	v33 =	vld [tilespmem:s20+$0xFFFFFEC0]  }
0x15a: {  	v36 =	vld [tilespmem:s21+$0xFFFFFE70];
	v34 =	vmul.f32 v34, v22  }
0x15b: {  	v37 =	vld [tilespmem:s21+$0xFFFFFEB0]  }
0x15c: {  	v38 =	vld [tilespmem:s20+$0xFFFFFEB0];
	v22 =	vmul.f32 v27, v32  }
0x15d: {  	v27 =	vld [tilespmem:s21+$0xFFFFFEA0]  }
0x15e: {  	v32 =	vld [tilespmem:s20+$0xFFFFFEA0];
	v33 =	vmul.f32 v35, v33  }
0x15f: {  	v35 =	vld [tilespmem:s21+$0xFFFFFE90]  }
0x160: {  	v39 =	vld [tilespmem:s20+$0xFFFFFE90];
	v33 =	vadd.f32 v22, v33;
	v22, _, _ =	vpop (xrf2)  }
0x161: {  	v40 =	vld [tilespmem:s21+$0xFFFFFE80];
	v37 =	vmul.f32 v37, v38  }
0x162: {  	v38 =	vld [tilespmem:s20+$0xFFFFFE80];
	v33 =	vadd.f32 v34, v33  }
0x163: {  	v34 =	vld [tilespmem:s21+$0xFFFFFE30];
	v27 =	vmul.f32 v27, v32  }
0x164: {  	v32 =	vld [tilespmem:s21+$0xFFFFFE60];
	v28 =	vadd.f32 v28, v33  }
0x165: {  	v33 =	vld [tilespmem:s21+$0xFFFFFE20];
	v35 =	vmul.f32 v35, v39  }
0x166: {  	v39 =	vld [tilespmem:s21+$0xFFFFFE50];
	(xrf2) =	vadd.scan.msk.f32 $0xffff, v28  }
0x167: {  	v28 =	vld [tilespmem:s20+$0xFFFFFE50];
	v38 =	vmul.f32 v40, v38  }
0x168: {  	v40 =	vld [tilespmem:s21+$0xFFFFFE40]  }
0x169: {  	v41 =	vld [tilespmem:s21+$0xFFFFFE00];
	v35 =	vadd.f32 v35, v38  }
0x16a: {  	v38 =	vld [tilespmem:s20+$0xFFFFFE00]  }
0x16b: {  	v42 =	vld [tilespmem:s20+$0xFFFFFE40];
	v27 =	vadd.f32 v27, v35  }
0x16c: {  	v35 =	vld [tilespmem:s20+$0xFFFFFE20];
	v28 =	vmul.f32 v39, v28  }
0x16d: {  	v39 =	vld [tilespmem:s20+$0xFFFFFE60];
	v27 =	vadd.f32 v37, v27  }
0x16e: {  	v37 =	vld [tilespmem:s20+$0xFFFFFE30]  }
0x16f: {  	v38 =	vmul.f32 v41, v38;
	v41 =	vld [tilespmem:s20+$0xFFFFFE70];
	(xrf2) =	vadd.scan.msk.f32 $0xffff, v27  }
0x170: {  	v27 =	vmul.f32 v40, v42;
	v40 =	vld [tilespmem:s21+$0xFFFFFF00];
	v42, _, _ =	vpop (xrf2)  }
0x171: {  	v16 =	vadd.f32 v16, v38;
	v33 =	vmul.f32 v33, v35;
	v35 =	vld [tilespmem:s20+$0xFFFFFF00]  }
0x172: {  	v27 =	vadd.f32 v28, v27;
	v28 =	vmul.f32 v32, v39;
	v32 =	vld [tilespmem:s20+$0xFFFFFF40]  }
0x173: {  	v16 =	vadd.f32 v33, v16;
	v33 =	vmul.f32 v34, v37;
	v34 =	vld [tilespmem:s20+$0xFFFFFF20]  }
0x174: {  	v27 =	vadd.f32 v28, v27;
	v28 =	vmul.f32 v36, v41;
	v36 =	vld [tilespmem:s20+$0xFFFFFF60];
	(xrf2) =	vadd.scan.msk.f32 $0xffff, v23  }
0x175: {  	v16 =	vadd.f32 v33, v16;
	v23 =	vld [tilespmem:s20+$0xFFFFFF30]  }
0x176: {  	v27 =	vadd.f32 v28, v27;
	v28 =	vmul.f32 v40, v35;
	v33 =	vld [tilespmem:s20+$0xFFFFFF70]  }
0x177: {  	v35 =	vmul.f32 v31, v32;
	v32 =	vld [tilespmem:s21+$0x0];
	(xrf2) =	vadd.scan.msk.f32 $0xffff, v16  }
0x178: {  	v16 =	vadd.f32 v29, v28;
	v26 =	vmul.f32 v26, v34;
	v28 =	vld [tilespmem:s20+$0x0]  }
0x179: {  	v29 =	vadd.f32 v30, v35;
	v25 =	vmul.f32 v25, v36;
	v30 =	vld [tilespmem:s20+$0x40];
	v31, _, _ =	vpop (xrf2)  }
0x17a: {  	v16 =	vadd.f32 v26, v16;
	v23 =	vmul.f32 v24, v23;
	v24 =	vld [tilespmem:s20+$0x20];
	(xrf2) =	vadd.scan.msk.f32 $0xffff, v27  }
0x17b: {  	v25 =	vadd.f32 v25, v29;
	v21 =	vmul.f32 v21, v33;
	v26 =	vld [tilespmem:s20+$0x60]  }
0x17c: {  	s24 =	sshra.s32 s26, $0x2;
	v29 =	vadd.f32 v23, v16;
	v23 =	vld [tilespmem:s20+$0x30]  }
0x17d: {  	v27 =	vld [tilespmem:s24+$0x10600];
	v21 =	vadd.f32 v21, v25;
	v25 =	vmul.f32 v32, v28  }
0x17e: {  	v28 =	vld [tilespmem:s24+$0x10400];
	v17 =	vmul.f32 v17, v30;
	(xrf2) =	vadd.scan.msk.f32 $0xffff, v29;
	v16, _, _ =	vpop (xrf2)  }
0x17f: {  	v20 =	vadd.f32 v20, v25;
	v15 =	vmul.f32 v15, v24;
	v24 =	vld [tilespmem:s20+$0x100]  }
0x180: {  	v17 =	vadd.f32 v18, v17;
	v14 =	vmul.f32 v14, v26;
	v18 =	vld [tilespmem:s20+$0x140]  }
0x181: {  	v15 =	vadd.f32 v15, v20;
	v13 =	vmul.f32 v13, v23;
	v20 =	vld [tilespmem:s20+$0x120];
	v23, _, _ =	vpop (xrf2);
	(xrf2) =	vadd.scan.msk.f32 $0xffff, v21  }
0x182: {  	v8 =	vmul.f32 v12, v8;
	v21 =	vbroadcast v23, $0xF;
	v14 =	vadd.f32 v14, v17;
	v12 =	vld [tilespmem:s20+$0x160]  }
0x183: {  	v17 =	vadd.f32 v27, v28;
	v13 =	vadd.f32 v13, v15;
	v15 =	vld [tilespmem:s21+$0x170]  }
0x184: {  	v8 =	vadd.f32 v8, v14;
	v6 =	vmul.f32 v6, v24;
	v14 =	vld [tilespmem:s21+$0x130];
	v23, _, _ =	vpop (xrf2)  }
0x185: {  	v21 =	vadd.f32 v21, v17;
	v23 =	vbroadcast v23, $0xF;
	v24 =	vld [tilespmem:s20+$0x130];
	v9 =	vmul.f32 v9, v18;
	(xrf2) =	vadd.scan.msk.f32 $0xffff, v13  }
0x186: {  	v13 =	vbroadcast v31, $0xF;
	v6 =	vadd.f32 v11, v6;
	v11 =	vld [tilespmem:s20+$0x170]  }
0x187: {  	v18 =	vsel vm0, v21, v17;
	v21 =	vbroadcast v42, $0xF;
	v5 =	vmul.f32 v5, v12;
	v12 =	vld [tilespmem:s20+$0x180]  }
0x188: {  	v4 =	vmul.f32 v4, v20;
	v17 =	vadd.f32 v23, v17;
	v7 =	vadd.f32 v7, v9;
	v9 =	vld [tilespmem:s21+$0x1A0];
	v20, _, _ =	vpop (xrf2);
	(xrf2) =	vadd.scan.msk.f32 $0xffff, v8  }
0x189: {  	v2 =	vmul.f32 v3, v2;
	v8 =	vadd.f32 v13, v18;
	v3 =	vld [tilespmem:s20+$0x1A0]  }
0x18a: {  	v4 =	vadd.f32 v4, v6;
	v13 =	vsel vm1, v18, v17;
	v17 =	vbroadcast v20, $0xF  }
0x18b: {  	v5 =	vadd.f32 v5, v7;
	v6 =	vsel vm2, v13, v8;
	v8 =	vadd.f32 v21, v13;
	v7 =	vld [tilespmem:s20+$0x1D0];
	v18, _, _ =	vpop (xrf2)  }
0x18c: {  	v13 =	vadd.f32 v17, v13;
	v17 =	vbroadcast v18, $0xF;
	v1 =	vmul.f32 v1, v12;
	v12 =	vld [tilespmem:s21+$0x1B0]  }
0x18d: {  	v11 =	vmul.f32 v15, v11;
	v6 =	vsel vm3, v6, v8;
	v8 =	vbroadcast v22, $0xF;
	v15 =	vld [tilespmem:s20+$0x1B0]  }
0x18e: {  	v14 =	vmul.f32 v14, v24;
	v18 =	vbroadcast v19, $0xF;
	v17 =	vadd.f32 v17, v6;
	v19 =	vld [tilespmem:s21+$0x1D0]  }
0x18f: {  	v6 =	vsel vm4, v6, v13;
	v1 =	vadd.f32 v2, v1;
	v2 =	vmul.f32 v9, v3;
	v3, _, _ =	vpop (xrf2)  }
0x190: {  	v4 =	vadd.f32 v14, v4;
	v9 =	vsel vm5, v6, v17;
	v6 =	vadd.f32 v8, v6;
	v8 =	vld [tilespmem:s20+$0x1C0]  }
0x191: {  	v5 =	vadd.f32 v11, v5;
	v3 =	vbroadcast v3, $0xF;
	v13 =	vadd.f32 v18, v9;
	v11 =	vld [tilespmem:s21+$0x1C0]  }
0x192: {  	v1 =	vadd.f32 v2, v1;
	v6 =	vsel vm6, v9, v6;
	v2 =	vmul.f32 v12, v15;
	v12, _, _ =	vpop (xrf2);
	(xrf2) =	vadd.scan.msk.f32 $0xffff, v4  }
0x193: {  	v3 =	vadd.f32 v3, v9;
	v4 =	vbroadcast v12, $0xF;
	v7 =	vmul.f32 v19, v7;
	v9 =	vld [tilespmem:s21+$0x1E0]  }
0x194: {  	v6 =	vsel vm7, v6, v13;
	v12 =	vbroadcast v16, $0xF;
	v1 =	vadd.f32 v2, v1;
	v2 =	vld [tilespmem:s21+$0x1F0]  }
0x195: {  	v3 =	vsel vm8, v6, v3;
	v4 =	vadd.f32 v4, v6;
	v6 =	vbroadcast v10, $0xF;
	v10 =	vld [tilespmem:s20+$0x1F0];
	(xrf2) =	vadd.scan.msk.f32 $0xffff, v5  }
0x196: {  	v5 =	vadd.f32 v12, v3;
	v8 =	vmul.f32 v11, v8;
	_ =	sdelay $0x1  }
.Ltmp0:
0x197: {  	v7 =	vadd.f32 v7, v8;
	v8 =	vmul.f32 v9, v0;
	(xrf2) =	vadd.scan.msk.f32 $0xffff, v1;
	(pc) =	sbr.rel @p0 .LBB2_2-.Ltmp0, $4  }
0x198: {  	_ = 	snop  }
0x199: {  	v0 =	vsel vm9, v3, v4;
	v7 =	vadd.f32 v8, v7;
	v4 =	vmul.f32 v2, v10  }
0x19a: {  	v2 =	vadd.f32 v6, v0  }
0x19b: {  	v3 =	vsel vm10, v0, v5;
	v4 =	vadd.f32 v4, v7;
	v1, _, _ =	vpop (xrf2)  }
0x19c: {  	_ = 	snop  }
0x19d: {  	(xrf2) =	vadd.scan.msk.f32 $0xffff, v4;
	_ =	sdelay $0x4  }
0x19e: {  	v1 =	vbroadcast v1, $0xF;
	v59, _, _ =	vpop (xrf2)  }
0x19f: {  	v4 =	vbroadcast v59, $0xF  }
0x1a0: {  	v2 =	vsel vm11, v3, v2;
	v0 =	vadd.f32 v1, v0;
	v60, _, _ =	vpop (xrf2)  }
0x1a1: {  	v62 =	vadd.f32 v4, v2;
	v61 =	vbroadcast v60, $0xF  }
0x1a2: {  	v0 =	vsel vm12, v2, v0  }
0x1a3: {  	v2 =	vsel vm13, v0, v62;
	v0 =	vadd.f32 v61, v0;
	v63, _, _ =	vpop (xrf2)  }
0x1a4: {  	v1 =	vadd.f32 v63, v2  }
0x1a5: {  	s18 =	sadd.s32 $0x1, s18;
	v0 =	vsel vm14, v2, v0  }
0x1a6: {  	p0 =	sne.s32 s18, s10;
	v0 =	vsel vm15, v0, v1  }
.Ltmp1:
0x1a7: {  	[tilespmem:s24+$0x10800] =	vst v0;
	(pc) =	sbr.rel @p0 .LBB2_1-.Ltmp1, $4  }
0x1a8: {  	[hbm4b:s9+s2] =	stream.linear.scatter [tilespmem:s17], [sflag:$0x2], $0x200, $0x38;
	[tilespmem:$0x10A00] =	vst v63  }
0x1a9: {  	_ =	swait.ge [sflag:s11], $0x200  }
0x1aa: {  	[sflag:s11] =	ssyncset.done $0x0  }
0x1ab: {  	[sflag:s11] =	ssyncadd.s32 $0xFFFFFE00  }
0x1ac: {  	_ =	sfence.sel $0x180000  }
0x1ad: {  	[bflag:$0x0] =	sbarrier.arrive $0xFFFF  }
0x1ae: {  	_ =	strace $0x90000047  }
0x1af: {  	s0 =	stileid.u32;
	[bflag:$0x2] =	sbarrier.arrive $0xFFFF  }
0x1b0: {  	p0 =	sne.s32 s0, $0x0;
	s0 =	rddreg [dreg:$0x4]  }
0x1b1: {  	s0 =	sadd.s32 @!p0 $0x100000, s0  }
0x1b2: {  	[sflag:s0] =	ssyncadd.tile.s32 @!p0 $0x1;
	_ =	shalt  }
.Lfunc_end2:
_tile_overlayer_lowered:
.L_overlay_start_2:
0x1b3: {  	(tag) =	ssettag $0x2  }
0x1b4: {  	s0 =	rddreg [dreg:$0x0];
	s2 =	stileid.u32  }
0x1b5: {  	s1 =	rddreg [dreg:$0x1];
	p0 =	sne.s32 s2, $0x0  }
0x1b6: {  	s3 =	rddreg [dreg:$0x2];
	[bflag:$0x3] =	sbarrier.arrive $0xFFFF;
	s2 =	simm.s32 @!p0 $0x1C02  }
0x1b7: {  	[timem:s3], [sflag:s2] =	dma.local @!p0 [hbm:s0], s1  }
0x1b8: {  	s0 =	simm.s32 @!p0 $0x2  }
0x1b9: {  	_ =	swait.ge @!p0 [sflag:s0], s1  }
0x1ba: {  	s1 =	ssub.s32 @!p0 $0x0, s1;
	[sflag:s0] =	ssyncset.done @!p0 $0x0  }
0x1bb: {  	[sflag:s0] =	ssyncadd.s32 @!p0 s1  }
0x1bc: {  	[bflag:$0x3] =	sbarrier.arrive $0xFFFF  }
0x1bd: {  	_ =	shalt  }

</sc_bundles>
